<compile_context>
chip_gen: v7x
topology: tpu7x:2x2x1
jax: 0.10.2.dev20260603
libtpu: 0.0.44.dev20260713+nightly
codegen_flags: <defaults>
</compile_context>

<pallas_src>
import functools

import jax
import jax.numpy as jnp
from jax import lax
from jax.experimental import pallas as pl
from jax.experimental.pallas import tpu as pltpu
from jax.experimental.pallas import tpu_sc as plsc

B, N, D, M = 16, 1024, 768, 300
MP = 304
PW0 = 160
PW1 = 136
MT = 296
LANES = 16


def _sc_gather(seg_flat, idx_flat):
    mesh = plsc.VectorSubcoreMesh(core_axis_name="c", subcore_axis_name="s")

    @functools.partial(
        pl.kernel,
        mesh=mesh,
        out_type=jax.ShapeDtypeStruct((B, M, D), jnp.float32),
        scratch_types=[
            pltpu.VMEM((PW0,), jnp.int32),
            pltpu.VMEM((PW0, D), jnp.float32),
            pltpu.SemaphoreType.DMA,
        ],
    )
    def k(seg_hbm, idx_hbm, out_hbm, idx_v, rows_v, sem):
        wid = lax.axis_index("s") * 2 + lax.axis_index("c")
        b = wid // 2
        half = wid % 2
        row_off = b * N

        @pl.when(half == 0)
        def _():
            pltpu.sync_copy(idx_hbm.at[pl.ds(b * MP, PW0)], idx_v)
            for j in range(PW0 // LANES):
                sl = pl.ds(j * LANES, LANES)
                idx_v[sl] = idx_v[sl] + row_off
            for c in range(2):
                pltpu.async_copy(
                    seg_hbm.at[idx_v.at[pl.ds(c * 80, 80)]],
                    rows_v.at[pl.ds(c * 80, 80)],
                    sem,
                ).wait()
            pltpu.sync_copy(rows_v, out_hbm.at[b, pl.ds(0, PW0), :])

        @pl.when(half == 1)
        def _():
            pltpu.sync_copy(
                idx_hbm.at[pl.ds(b * MP + PW0, 144)], idx_v.at[pl.ds(0, 144)]
            )
            for j in range(144 // LANES):
                sl = pl.ds(j * LANES, LANES)
                idx_v[sl] = idx_v[sl] + row_off
            pltpu.async_copy(
                seg_hbm.at[idx_v.at[pl.ds(0, 80)]],
                rows_v.at[pl.ds(0, 80)],
                sem,
            ).wait()
            pltpu.async_copy(
                seg_hbm.at[idx_v.at[pl.ds(80, 64)]],
                rows_v.at[pl.ds(80, 64)],
                sem,
            ).wait()
            pltpu.sync_copy(
                rows_v.at[pl.ds(0, PW1)], out_hbm.at[b, pl.ds(PW0, PW1), :]
            )

    return k(seg_flat, idx_flat)


def kernel(seg_out, det_out, det_scores, det_indices):
    idx = det_indices.astype(jnp.int32)
    idx_padded = jnp.pad(idx, ((0, 0), (0, MP - M)))
    out = _sc_gather(seg_out.reshape(B * N, D), idx_padded.reshape(B * MP))
    tail = jnp.take_along_axis(seg_out, idx[:, MT:M, None], axis=1)
    return lax.dynamic_update_slice(out, tail, (0, MT, 0))

# --- scband reference (transcript-rebuilt; emitter-appended) ---
"""Pipeline reference for scband-det-guided-fusion-76493367542288 (READ-ONLY COPY).

The authoritative reference and input builder live on the scoring server;
editing this copy changes nothing except your own understanding.
"""

import jax, jax.numpy as jnp
import numpy as np

B, N, D, M = 16, 1024, 768, 300

def setup_inputs(seed: int = 0) -> dict:
    key = jax.random.key(seed)
    k1, k2, k3, k4 = jax.random.split(key, 4)
    seg_out = jax.random.normal(k1, (B, N, D), dtype=jnp.float32)
    det_out = jax.random.normal(k2, (B, M, D), dtype=jnp.float32)
    det_scores = jax.random.uniform(k3, (B, M), dtype=jnp.float32)
    det_indices = jax.random.randint(k4, (B, M), 0, N, dtype=jnp.int64) if jax.config.jax_enable_x64 else jax.random.randint(k4, (B, M), 0, N, dtype=jnp.int32)
    return {"seg_out": seg_out, "det_out": det_out, "det_scores": det_scores, "det_indices": det_indices}

def reference(seg_out, det_out, det_scores, det_indices):
    # Faithful translation: per-batch gather seg_out[b, idx] then stack.
    # Equivalent vectorized gather along the patch axis.
    selected = jnp.take_along_axis(seg_out, det_indices[:, :, None], axis=1)
    return selected

if __name__ == "__main__":
    import jax
    _d = setup_inputs()
    print(jax.jit(kernel)(*tuple(_d.values())))

</pallas_src>

<mosaic_0001>
#map = affine_map<(d0, d1) -> (0, 0)>
#map1 = affine_map<(d0, d1) -> (0)>
#map2 = affine_map<(d0, d1) -> (0, 0, 0)>
module attributes {stable_mosaic.version = 14 : i64} {
  func.func @k(%arg0: i32, %arg1: i32, %arg2: memref<16384x768xf32, #tpu.memory_space<hbm>>, %arg3: memref<4864xi32, #tpu.memory_space<hbm>>, %arg4: memref<16x300x768xf32, #tpu.memory_space<hbm>>, %arg5: memref<160xi32, #tpu.memory_space<vmem>>, %arg6: memref<160x768xf32, #tpu.memory_space<vmem>>, %arg7: memref<!tpu.dma_semaphore, #tpu.memory_space<semaphore_mem>>) attributes {dimension_semantics = [#tpu.dimension_semantics<core_parallel>, #tpu.dimension_semantics<subcore_parallel>], iteration_bounds = array<i64: 2, 16>, scalar_prefetch = 0 : i64, scratch_operands = 3 : i64, tpu.core_type = #tpu.core_type<sc_vector_subcore>, window_params = [{transform_indices = #map}, {transform_indices = #map1}, {transform_indices = #map2}]} {
    %mul3A = arith.constant 2 : i32
    %mul3A_0 = arith.muli %arg1, %mul3A : i32
    %add3A = arith.addi %mul3A_0, %arg0 : i32
    %jit3A = arith.constant 2 : i32
    %div3A = arith.divsi %add3A, %jit3A : i32
    %sign3A = arith.constant 0 : i32
    %sign3A_1 = arith.cmpi sgt, %add3A, %sign3A : i32
    %sign3A_2 = arith.extui %sign3A_1 : i1 to i32
    %sign3A_3 = arith.constant 0 : i32
    %sign3A_4 = arith.cmpi slt, %add3A, %sign3A_3 : i32
    %sign3A_5 = arith.extui %sign3A_4 : i1 to i32
    %sign3A_6 = arith.subi %sign3A_2, %sign3A_5 : i32
    %sign3A_7 = arith.constant 0 : i32
    %sign3A_8 = arith.cmpi sgt, %jit3A, %sign3A_7 : i32
    %sign3A_9 = arith.extui %sign3A_8 : i1 to i32
    %sign3A_10 = arith.constant 0 : i32
    %sign3A_11 = arith.cmpi slt, %jit3A, %sign3A_10 : i32
    %sign3A_12 = arith.extui %sign3A_11 : i1 to i32
    %sign3A_13 = arith.subi %sign3A_9, %sign3A_12 : i32
    %ne3A = arith.cmpi ne, %sign3A_6, %sign3A_13 : i32
    %rem3A = arith.remsi %add3A, %jit3A : i32
    %ne3A_14 = arith.constant 0 : i32
    %ne3A_15 = arith.cmpi ne, %rem3A, %ne3A_14 : i32
    %and3A = arith.andi %ne3A, %ne3A_15 : i1
    %sub3A = arith.constant 1 : i32
    %sub3A_16 = arith.subi %div3A, %sub3A : i32
    %select_n3A = arith.select %and3A, %sub3A_16, %div3A : i32
    %jit3A_17 = arith.constant 2 : i32
    %eq3A = arith.constant 0 : i32
    %eq3A_18 = arith.cmpi eq, %jit3A_17, %eq3A : i32
    %jit3A_19 = arith.constant 1 : i32
    %select_n3A_20 = arith.select %eq3A_18, %jit3A_19, %jit3A_17 : i32
    %rem3A_21 = arith.remsi %add3A, %select_n3A_20 : i32
    %ne3A_22 = arith.constant 0 : i32
    %ne3A_23 = arith.cmpi ne, %rem3A_21, %ne3A_22 : i32
    %lt3A = arith.constant 0 : i32
    %lt3A_24 = arith.cmpi slt, %rem3A_21, %lt3A : i32
    %lt3A_25 = arith.constant 0 : i32
    %lt3A_26 = arith.cmpi slt, %select_n3A_20, %lt3A_25 : i32
    %ne3A_27 = arith.xori %lt3A_24, %lt3A_26 : i1
    %and3A_28 = arith.andi %ne3A_27, %ne3A_23 : i1
    %add3A_29 = arith.addi %rem3A_21, %select_n3A_20 : i32
    %select_n3A_30 = arith.select %and3A_28, %add3A_29, %rem3A_21 : i32
    %mul3A_31 = arith.constant 1024 : i32
    %mul3A_32 = arith.muli %select_n3A, %mul3A_31 : i32
    %eq3A_33 = arith.constant 0 : i32
    %eq3A_34 = arith.cmpi eq, %select_n3A_30, %eq3A_33 : i32
    %convert_element_type3A = arith.extui %eq3A_34 : i1 to i32
    %cond3A = arith.constant 0 : i32
    %cond3A_35 = arith.cmpi ne, %convert_element_type3A, %cond3A : i32
    scf.if %cond3A_35 {
      %mul3A_41 = arith.constant 304 : i32
      %mul3A_42 = arith.muli %select_n3A, %mul3A_41 : i32
      "tpu.region"() ({
        %run_scoped3A = tpu.sem_alloc : memref<!tpu.dma_semaphore, #tpu.memory_space<semaphore_mem>>
        %dma_start3A_161 = tpu.memref_slice %arg3[%mul3A_42] : memref<4864xi32, #tpu.memory_space<hbm>> -> memref<160xi32, #tpu.memory_space<hbm>>
        %dma_start3A_162 = tpu.memref_slice %arg3[%mul3A_42] : memref<4864xi32, #tpu.memory_space<hbm>> -> memref<160xi32, #tpu.memory_space<hbm>>
        tpu.enqueue_dma source(%dma_start3A_162 : memref<160xi32, #tpu.memory_space<hbm>>) target(%arg5 : memref<160xi32, #tpu.memory_space<vmem>>) target_semaphore(%run_scoped3A : memref<!tpu.dma_semaphore, #tpu.memory_space<semaphore_mem>>)
        %dma_wait3A_163 = tpu.memref_slice %arg3[%mul3A_42] : memref<4864xi32, #tpu.memory_space<hbm>> -> memref<160xi32, #tpu.memory_space<hbm>>
        %dma_wait3A_164 = tpu.memref_slice %arg3[%mul3A_42] : memref<4864xi32, #tpu.memory_space<hbm>> -> memref<160xi32, #tpu.memory_space<hbm>>
        tpu.wait_dma2 semaphore(%run_scoped3A : memref<!tpu.dma_semaphore, #tpu.memory_space<semaphore_mem>>) src(%dma_wait3A_164 : memref<160xi32, #tpu.memory_space<hbm>>) dst(%arg5 : memref<160xi32, #tpu.memory_space<vmem>>)
        tpu.yield
      }) : () -> ()
      %get3A = arith.constant 0 : index
      %get3A_43 = tpu.vector_load %arg5[%get3A] {strides = array<i32>} : memref<160xi32, #tpu.memory_space<vmem>>, vector<16xi32>,
      %get3A_44 = vector.shape_cast %get3A_43 : vector<16xi32> to vector<16xi32>
      %add3A_45 = vector.broadcast %mul3A_32 : i32 to vector<16xi32>
      %add3A_46 = arith.addi %get3A_44, %add3A_45 : vector<16xi32>
      %swap3A = arith.constant 0 : index
      %swap3A_47 = tpu.vector_load %arg5[%swap3A] {strides = array<i32>} : memref<160xi32, #tpu.memory_space<vmem>>, vector<16xi32>,
      %swap3A_48 = vector.shape_cast %swap3A_47 : vector<16xi32> to vector<16xi32>
      %swap3A_49 = vector.shape_cast %add3A_46 : vector<16xi32> to vector<16xi32>
      tpu.vector_store %arg5[%swap3A], %swap3A_49 {strides = array<i32>} : memref<160xi32, #tpu.memory_space<vmem>>, vector<16xi32>,
      %get3A_50 = arith.constant 16 : index
      %get3A_51 = tpu.vector_load %arg5[%get3A_50] {strides = array<i32>} : memref<160xi32, #tpu.memory_space<vmem>>, vector<16xi32>,
      %get3A_52 = vector.shape_cast %get3A_51 : vector<16xi32> to vector<16xi32>
      %add3A_53 = vector.broadcast %mul3A_32 : i32 to vector<16xi32>
      %add3A_54 = arith.addi %get3A_52, %add3A_53 : vector<16xi32>
      %swap3A_55 = arith.constant 16 : index
      %swap3A_56 = tpu.vector_load %arg5[%swap3A_55] {strides = array<i32>} : memref<160xi32, #tpu.memory_space<vmem>>, vector<16xi32>,
      %swap3A_57 = vector.shape_cast %swap3A_56 : vector<16xi32> to vector<16xi32>
      %swap3A_58 = vector.shape_cast %add3A_54 : vector<16xi32> to vector<16xi32>
      tpu.vector_store %arg5[%swap3A_55], %swap3A_58 {strides = array<i32>} : memref<160xi32, #tpu.memory_space<vmem>>, vector<16xi32>,
      %get3A_59 = arith.constant 32 : index
      %get3A_60 = tpu.vector_load %arg5[%get3A_59] {strides = array<i32>} : memref<160xi32, #tpu.memory_space<vmem>>, vector<16xi32>,
      %get3A_61 = vector.shape_cast %get3A_60 : vector<16xi32> to vector<16xi32>
      %add3A_62 = vector.broadcast %mul3A_32 : i32 to vector<16xi32>
      %add3A_63 = arith.addi %get3A_61, %add3A_62 : vector<16xi32>
      %swap3A_64 = arith.constant 32 : index
      %swap3A_65 = tpu.vector_load %arg5[%swap3A_64] {strides = array<i32>} : memref<160xi32, #tpu.memory_space<vmem>>, vector<16xi32>,
      %swap3A_66 = vector.shape_cast %swap3A_65 : vector<16xi32> to vector<16xi32>
      %swap3A_67 = vector.shape_cast %add3A_63 : vector<16xi32> to vector<16xi32>
      tpu.vector_store %arg5[%swap3A_64], %swap3A_67 {strides = array<i32>} : memref<160xi32, #tpu.memory_space<vmem>>, vector<16xi32>,
      %get3A_68 = arith.constant 48 : index
      %get3A_69 = tpu.vector_load %arg5[%get3A_68] {strides = array<i32>} : memref<160xi32, #tpu.memory_space<vmem>>, vector<16xi32>,
      %get3A_70 = vector.shape_cast %get3A_69 : vector<16xi32> to vector<16xi32>
      %add3A_71 = vector.broadcast %mul3A_32 : i32 to vector<16xi32>
      %add3A_72 = arith.addi %get3A_70, %add3A_71 : vector<16xi32>
      %swap3A_73 = arith.constant 48 : index
      %swap3A_74 = tpu.vector_load %arg5[%swap3A_73] {strides = array<i32>} : memref<160xi32, #tpu.memory_space<vmem>>, vector<16xi32>,
      %swap3A_75 = vector.shape_cast %swap3A_74 : vector<16xi32> to vector<16xi32>
      %swap3A_76 = vector.shape_cast %add3A_72 : vector<16xi32> to vector<16xi32>
      tpu.vector_store %arg5[%swap3A_73], %swap3A_76 {strides = array<i32>} : memref<160xi32, #tpu.memory_space<vmem>>, vector<16xi32>,
      %get3A_77 = arith.constant 64 : index
      %get3A_78 = tpu.vector_load %arg5[%get3A_77] {strides = array<i32>} : memref<160xi32, #tpu.memory_space<vmem>>, vector<16xi32>,
      %get3A_79 = vector.shape_cast %get3A_78 : vector<16xi32> to vector<16xi32>
      %add3A_80 = vector.broadcast %mul3A_32 : i32 to vector<16xi32>
      %add3A_81 = arith.addi %get3A_79, %add3A_80 : vector<16xi32>
      %swap3A_82 = arith.constant 64 : index
      %swap3A_83 = tpu.vector_load %arg5[%swap3A_82] {strides = array<i32>} : memref<160xi32, #tpu.memory_space<vmem>>, vector<16xi32>,
      %swap3A_84 = vector.shape_cast %swap3A_83 : vector<16xi32> to vector<16xi32>
      %swap3A_85 = vector.shape_cast %add3A_81 : vector<16xi32> to vector<16xi32>
      tpu.vector_store %arg5[%swap3A_82], %swap3A_85 {strides = array<i32>} : memref<160xi32, #tpu.memory_space<vmem>>, vector<16xi32>,
      %get3A_86 = arith.constant 80 : index
      %get3A_87 = tpu.vector_load %arg5[%get3A_86] {strides = array<i32>} : memref<160xi32, #tpu.memory_space<vmem>>, vector<16xi32>,
      %get3A_88 = vector.shape_cast %get3A_87 : vector<16xi32> to vector<16xi32>
      %add3A_89 = vector.broadcast %mul3A_32 : i32 to vector<16xi32>
      %add3A_90 = arith.addi %get3A_88, %add3A_89 : vector<16xi32>
      %swap3A_91 = arith.constant 80 : index
      %swap3A_92 = tpu.vector_load %arg5[%swap3A_91] {strides = array<i32>} : memref<160xi32, #tpu.memory_space<vmem>>, vector<16xi32>,
      %swap3A_93 = vector.shape_cast %swap3A_92 : vector<16xi32> to vector<16xi32>
      %swap3A_94 = vector.shape_cast %add3A_90 : vector<16xi32> to vector<16xi32>
      tpu.vector_store %arg5[%swap3A_91], %swap3A_94 {strides = array<i32>} : memref<160xi32, #tpu.memory_space<vmem>>, vector<16xi32>,
      %get3A_95 = arith.constant 96 : index
      %get3A_96 = tpu.vector_load %arg5[%get3A_95] {strides = array<i32>} : memref<160xi32, #tpu.memory_space<vmem>>, vector<16xi32>,
      %get3A_97 = vector.shape_cast %get3A_96 : vector<16xi32> to vector<16xi32>
      %add3A_98 = vector.broadcast %mul3A_32 : i32 to vector<16xi32>
      %add3A_99 = arith.addi %get3A_97, %add3A_98 : vector<16xi32>
      %swap3A_100 = arith.constant 96 : index
      %swap3A_101 = tpu.vector_load %arg5[%swap3A_100] {strides = array<i32>} : memref<160xi32, #tpu.memory_space<vmem>>, vector<16xi32>,
      %swap3A_102 = vector.shape_cast %swap3A_101 : vector<16xi32> to vector<16xi32>
      %swap3A_103 = vector.shape_cast %add3A_99 : vector<16xi32> to vector<16xi32>
      tpu.vector_store %arg5[%swap3A_100], %swap3A_103 {strides = array<i32>} : memref<160xi32, #tpu.memory_space<vmem>>, vector<16xi32>,
      %get3A_104 = arith.constant 112 : index
      %get3A_105 = tpu.vector_load %arg5[%get3A_104] {strides = array<i32>} : memref<160xi32, #tpu.memory_space<vmem>>, vector<16xi32>,
      %get3A_106 = vector.shape_cast %get3A_105 : vector<16xi32> to vector<16xi32>
      %add3A_107 = vector.broadcast %mul3A_32 : i32 to vector<16xi32>
      %add3A_108 = arith.addi %get3A_106, %add3A_107 : vector<16xi32>
      %swap3A_109 = arith.constant 112 : index
      %swap3A_110 = tpu.vector_load %arg5[%swap3A_109] {strides = array<i32>} : memref<160xi32, #tpu.memory_space<vmem>>, vector<16xi32>,
      %swap3A_111 = vector.shape_cast %swap3A_110 : vector<16xi32> to vector<16xi32>
      %swap3A_112 = vector.shape_cast %add3A_108 : vector<16xi32> to vector<16xi32>
      tpu.vector_store %arg5[%swap3A_109], %swap3A_112 {strides = array<i32>} : memref<160xi32, #tpu.memory_space<vmem>>, vector<16xi32>,
      %get3A_113 = arith.constant 128 : index
      %get3A_114 = tpu.vector_load %arg5[%get3A_113] {strides = array<i32>} : memref<160xi32, #tpu.memory_space<vmem>>, vector<16xi32>,
      %get3A_115 = vector.shape_cast %get3A_114 : vector<16xi32> to vector<16xi32>
      %add3A_116 = vector.broadcast %mul3A_32 : i32 to vector<16xi32>
      %add3A_117 = arith.addi %get3A_115, %add3A_116 : vector<16xi32>
      %swap3A_118 = arith.constant 128 : index
      %swap3A_119 = tpu.vector_load %arg5[%swap3A_118] {strides = array<i32>} : memref<160xi32, #tpu.memory_space<vmem>>, vector<16xi32>,
      %swap3A_120 = vector.shape_cast %swap3A_119 : vector<16xi32> to vector<16xi32>
      %swap3A_121 = vector.shape_cast %add3A_117 : vector<16xi32> to vector<16xi32>
      tpu.vector_store %arg5[%swap3A_118], %swap3A_121 {strides = array<i32>} : memref<160xi32, #tpu.memory_space<vmem>>, vector<16xi32>,
      %get3A_122 = arith.constant 144 : index
      %get3A_123 = tpu.vector_load %arg5[%get3A_122] {strides = array<i32>} : memref<160xi32, #tpu.memory_space<vmem>>, vector<16xi32>,
      %get3A_124 = vector.shape_cast %get3A_123 : vector<16xi32> to vector<16xi32>
      %add3A_125 = vector.broadcast %mul3A_32 : i32 to vector<16xi32>
      %add3A_126 = arith.addi %get3A_124, %add3A_125 : vector<16xi32>
      %swap3A_127 = arith.constant 144 : index
      %swap3A_128 = tpu.vector_load %arg5[%swap3A_127] {strides = array<i32>} : memref<160xi32, #tpu.memory_space<vmem>>, vector<16xi32>,
      %swap3A_129 = vector.shape_cast %swap3A_128 : vector<16xi32> to vector<16xi32>
      %swap3A_130 = vector.shape_cast %add3A_126 : vector<16xi32> to vector<16xi32>
      tpu.vector_store %arg5[%swap3A_127], %swap3A_130 {strides = array<i32>} : memref<160xi32, #tpu.memory_space<vmem>>, vector<16xi32>,
      %dma_start3A = arith.constant 0 : i32
      %dma_start3A_131 = arith.constant 0 : i32
      %dma_start3A_132 = tpu.memref_slice %arg6[%dma_start3A, %dma_start3A_131] : memref<160x768xf32, #tpu.memory_space<vmem>> -> memref<80x768xf32, #tpu.memory_space<vmem>>
      %dma_start3A_133 = arith.constant 0 : i32
      %dma_start3A_134 = tpu.memref_slice %arg5[%dma_start3A_133] : memref<160xi32, #tpu.memory_space<vmem>> -> memref<80xi32, #tpu.memory_space<vmem>>
      %dma_start3A_135 = arith.constant 0 : i32
      %dma_start3A_136 = arith.constant 0 : i32
      %dma_start3A_137 = tpu.memref_slice %arg2[%dma_start3A_135, %dma_start3A_136] : memref<16384x768xf32, #tpu.memory_space<hbm>> -> memref<16384x768xf32, #tpu.memory_space<hbm>>
      tpu.enqueue_indirect_dma source(%dma_start3A_137 : memref<16384x768xf32, #tpu.memory_space<hbm>>) target(%dma_start3A_132 : memref<80x768xf32, #tpu.memory_space<vmem>>) offsets(%dma_start3A_134 : memref<80xi32, #tpu.memory_space<vmem>>) semaphore(%arg7 : memref<!tpu.dma_semaphore, #tpu.memory_space<semaphore_mem>>)
      %dma_wait3A = arith.constant 0 : i32
      %dma_wait3A_138 = arith.constant 0 : i32
      %dma_wait3A_139 = tpu.memref_slice %arg6[%dma_wait3A, %dma_wait3A_138] : memref<160x768xf32, #tpu.memory_space<vmem>> -> memref<80x768xf32, #tpu.memory_space<vmem>>
      %dma_wait3A_140 = arith.constant 0 : i32
      %dma_wait3A_141 = tpu.memref_slice %arg5[%dma_wait3A_140] : memref<160xi32, #tpu.memory_space<vmem>> -> memref<80xi32, #tpu.memory_space<vmem>>
      %dma_wait3A_142 = arith.constant 0 : i32
      %dma_wait3A_143 = arith.constant 0 : i32
      %dma_wait3A_144 = tpu.memref_slice %arg2[%dma_wait3A_142, %dma_wait3A_143] : memref<16384x768xf32, #tpu.memory_space<hbm>> -> memref<16384x768xf32, #tpu.memory_space<hbm>>
      tpu.wait_indirect_dma semaphore(%arg7 : memref<!tpu.dma_semaphore, #tpu.memory_space<semaphore_mem>>) src(%dma_wait3A_144 : memref<16384x768xf32, #tpu.memory_space<hbm>>) dst(%dma_wait3A_139 : memref<80x768xf32, #tpu.memory_space<vmem>>)
      %dma_start3A_145 = arith.constant 80 : i32
      %dma_start3A_146 = arith.constant 0 : i32
      %dma_start3A_147 = tpu.memref_slice %arg6[%dma_start3A_145, %dma_start3A_146] : memref<160x768xf32, #tpu.memory_space<vmem>> -> memref<80x768xf32, #tpu.memory_space<vmem>>
      %dma_start3A_148 = arith.constant 80 : i32
      %dma_start3A_149 = tpu.memref_slice %arg5[%dma_start3A_148] : memref<160xi32, #tpu.memory_space<vmem>> -> memref<80xi32, #tpu.memory_space<vmem>>
      %dma_start3A_150 = arith.constant 0 : i32
      %dma_start3A_151 = arith.constant 0 : i32
      %dma_start3A_152 = tpu.memref_slice %arg2[%dma_start3A_150, %dma_start3A_151] : memref<16384x768xf32, #tpu.memory_space<hbm>> -> memref<16384x768xf32, #tpu.memory_space<hbm>>
      tpu.enqueue_indirect_dma source(%dma_start3A_152 : memref<16384x768xf32, #tpu.memory_space<hbm>>) target(%dma_start3A_147 : memref<80x768xf32, #tpu.memory_space<vmem>>) offsets(%dma_start3A_149 : memref<80xi32, #tpu.memory_space<vmem>>) semaphore(%arg7 : memref<!tpu.dma_semaphore, #tpu.memory_space<semaphore_mem>>)
      %dma_wait3A_153 = arith.constant 80 : i32
      %dma_wait3A_154 = arith.constant 0 : i32
      %dma_wait3A_155 = tpu.memref_slice %arg6[%dma_wait3A_153, %dma_wait3A_154] : memref<160x768xf32, #tpu.memory_space<vmem>> -> memref<80x768xf32, #tpu.memory_space<vmem>>
      %dma_wait3A_156 = arith.constant 80 : i32
      %dma_wait3A_157 = tpu.memref_slice %arg5[%dma_wait3A_156] : memref<160xi32, #tpu.memory_space<vmem>> -> memref<80xi32, #tpu.memory_space<vmem>>
      %dma_wait3A_158 = arith.constant 0 : i32
      %dma_wait3A_159 = arith.constant 0 : i32
      %dma_wait3A_160 = tpu.memref_slice %arg2[%dma_wait3A_158, %dma_wait3A_159] : memref<16384x768xf32, #tpu.memory_space<hbm>> -> memref<16384x768xf32, #tpu.memory_space<hbm>>
      tpu.wait_indirect_dma semaphore(%arg7 : memref<!tpu.dma_semaphore, #tpu.memory_space<semaphore_mem>>) src(%dma_wait3A_160 : memref<16384x768xf32, #tpu.memory_space<hbm>>) dst(%dma_wait3A_155 : memref<80x768xf32, #tpu.memory_space<vmem>>)
      "tpu.region"() ({
        %run_scoped3A = tpu.sem_alloc : memref<!tpu.dma_semaphore, #tpu.memory_space<semaphore_mem>>
        %dma_start3A_161 = arith.constant 0 : i32
        %dma_start3A_162 = arith.constant 0 : i32
        %dma_start3A_163 = tpu.memref_slice %arg4[%select_n3A, %dma_start3A_161, %dma_start3A_162] : memref<16x300x768xf32, #tpu.memory_space<hbm>> -> memref<1x160x768xf32, #tpu.memory_space<hbm>>
        %dma_start3A_164 = tpu.memref_squeeze %dma_start3A_163 : memref<1x160x768xf32, #tpu.memory_space<hbm>> -> memref<160x768xf32, #tpu.memory_space<hbm>>
        %dma_start3A_165 = arith.constant 0 : i32
        %dma_start3A_166 = arith.constant 0 : i32
        %dma_start3A_167 = tpu.memref_slice %arg4[%select_n3A, %dma_start3A_165, %dma_start3A_166] : memref<16x300x768xf32, #tpu.memory_space<hbm>> -> memref<1x160x768xf32, #tpu.memory_space<hbm>>
        %dma_start3A_168 = tpu.memref_squeeze %dma_start3A_167 : memref<1x160x768xf32, #tpu.memory_space<hbm>> -> memref<160x768xf32, #tpu.memory_space<hbm>>
        tpu.enqueue_dma source(%arg6 : memref<160x768xf32, #tpu.memory_space<vmem>>) target(%dma_start3A_168 : memref<160x768xf32, #tpu.memory_space<hbm>>) target_semaphore(%run_scoped3A : memref<!tpu.dma_semaphore, #tpu.memory_space<semaphore_mem>>)
        %dma_wait3A_169 = arith.constant 0 : i32
        %dma_wait3A_170 = arith.constant 0 : i32
        %dma_wait3A_171 = tpu.memref_slice %arg4[%select_n3A, %dma_wait3A_169, %dma_wait3A_170] : memref<16x300x768xf32, #tpu.memory_space<hbm>> -> memref<1x160x768xf32, #tpu.memory_space<hbm>>
        %dma_wait3A_172 = tpu.memref_squeeze %dma_wait3A_171 : memref<1x160x768xf32, #tpu.memory_space<hbm>> -> memref<160x768xf32, #tpu.memory_space<hbm>>
        %dma_wait3A_173 = arith.constant 0 : i32
        %dma_wait3A_174 = arith.constant 0 : i32
        %dma_wait3A_175 = tpu.memref_slice %arg4[%select_n3A, %dma_wait3A_173, %dma_wait3A_174] : memref<16x300x768xf32, #tpu.memory_space<hbm>> -> memref<1x160x768xf32, #tpu.memory_space<hbm>>
        %dma_wait3A_176 = tpu.memref_squeeze %dma_wait3A_175 : memref<1x160x768xf32, #tpu.memory_space<hbm>> -> memref<160x768xf32, #tpu.memory_space<hbm>>
        tpu.wait_dma2 semaphore(%run_scoped3A : memref<!tpu.dma_semaphore, #tpu.memory_space<semaphore_mem>>) src(%arg6 : memref<160x768xf32, #tpu.memory_space<vmem>>) dst(%dma_wait3A_176 : memref<160x768xf32, #tpu.memory_space<hbm>>)
        tpu.yield
      }) : () -> ()
    } else {
    }
    %eq3A_36 = arith.constant 1 : i32
    %eq3A_37 = arith.cmpi eq, %select_n3A_30, %eq3A_36 : i32
    %convert_element_type3A_38 = arith.extui %eq3A_37 : i1 to i32
    %cond3A_39 = arith.constant 0 : i32
    %cond3A_40 = arith.cmpi ne, %convert_element_type3A_38, %cond3A_39 : i32
    scf.if %cond3A_40 {
      %mul3A_41 = arith.constant 304 : i32
      %mul3A_42 = arith.muli %select_n3A, %mul3A_41 : i32
      %add3A_43 = arith.constant 160 : i32
      %add3A_44 = arith.addi %mul3A_42, %add3A_43 : i32
      "tpu.region"() ({
        %run_scoped3A = tpu.sem_alloc : memref<!tpu.dma_semaphore, #tpu.memory_space<semaphore_mem>>
        %dma_start3A_154 = arith.constant 0 : i32
        %dma_start3A_155 = tpu.memref_slice %arg5[%dma_start3A_154] : memref<160xi32, #tpu.memory_space<vmem>> -> memref<144xi32, #tpu.memory_space<vmem>>
        %dma_start3A_156 = tpu.memref_slice %arg3[%add3A_44] : memref<4864xi32, #tpu.memory_space<hbm>> -> memref<144xi32, #tpu.memory_space<hbm>>
        %dma_start3A_157 = arith.constant 0 : i32
        %dma_start3A_158 = tpu.memref_slice %arg5[%dma_start3A_157] : memref<160xi32, #tpu.memory_space<vmem>> -> memref<144xi32, #tpu.memory_space<vmem>>
        %dma_start3A_159 = tpu.memref_slice %arg3[%add3A_44] : memref<4864xi32, #tpu.memory_space<hbm>> -> memref<144xi32, #tpu.memory_space<hbm>>
        tpu.enqueue_dma source(%dma_start3A_159 : memref<144xi32, #tpu.memory_space<hbm>>) target(%dma_start3A_158 : memref<144xi32, #tpu.memory_space<vmem>>) target_semaphore(%run_scoped3A : memref<!tpu.dma_semaphore, #tpu.memory_space<semaphore_mem>>)
        %dma_wait3A_160 = arith.constant 0 : i32
        %dma_wait3A_161 = tpu.memref_slice %arg5[%dma_wait3A_160] : memref<160xi32, #tpu.memory_space<vmem>> -> memref<144xi32, #tpu.memory_space<vmem>>
        %dma_wait3A_162 = tpu.memref_slice %arg3[%add3A_44] : memref<4864xi32, #tpu.memory_space<hbm>> -> memref<144xi32, #tpu.memory_space<hbm>>
        %dma_wait3A_163 = arith.constant 0 : i32
        %dma_wait3A_164 = tpu.memref_slice %arg5[%dma_wait3A_163] : memref<160xi32, #tpu.memory_space<vmem>> -> memref<144xi32, #tpu.memory_space<vmem>>
        %dma_wait3A_165 = tpu.memref_slice %arg3[%add3A_44] : memref<4864xi32, #tpu.memory_space<hbm>> -> memref<144xi32, #tpu.memory_space<hbm>>
        tpu.wait_dma2 semaphore(%run_scoped3A : memref<!tpu.dma_semaphore, #tpu.memory_space<semaphore_mem>>) src(%dma_wait3A_165 : memref<144xi32, #tpu.memory_space<hbm>>) dst(%dma_wait3A_164 : memref<144xi32, #tpu.memory_space<vmem>>)
        tpu.yield
      }) : () -> ()
      %get3A = arith.constant 0 : index
      %get3A_45 = tpu.vector_load %arg5[%get3A] {strides = array<i32>} : memref<160xi32, #tpu.memory_space<vmem>>, vector<16xi32>,
      %get3A_46 = vector.shape_cast %get3A_45 : vector<16xi32> to vector<16xi32>
      %add3A_47 = vector.broadcast %mul3A_32 : i32 to vector<16xi32>
      %add3A_48 = arith.addi %get3A_46, %add3A_47 : vector<16xi32>
      %swap3A = arith.constant 0 : index
      %swap3A_49 = tpu.vector_load %arg5[%swap3A] {strides = array<i32>} : memref<160xi32, #tpu.memory_space<vmem>>, vector<16xi32>,
      %swap3A_50 = vector.shape_cast %swap3A_49 : vector<16xi32> to vector<16xi32>
      %swap3A_51 = vector.shape_cast %add3A_48 : vector<16xi32> to vector<16xi32>
      tpu.vector_store %arg5[%swap3A], %swap3A_51 {strides = array<i32>} : memref<160xi32, #tpu.memory_space<vmem>>, vector<16xi32>,
      %get3A_52 = arith.constant 16 : index
      %get3A_53 = tpu.vector_load %arg5[%get3A_52] {strides = array<i32>} : memref<160xi32, #tpu.memory_space<vmem>>, vector<16xi32>,
      %get3A_54 = vector.shape_cast %get3A_53 : vector<16xi32> to vector<16xi32>
      %add3A_55 = vector.broadcast %mul3A_32 : i32 to vector<16xi32>
      %add3A_56 = arith.addi %get3A_54, %add3A_55 : vector<16xi32>
      %swap3A_57 = arith.constant 16 : index
      %swap3A_58 = tpu.vector_load %arg5[%swap3A_57] {strides = array<i32>} : memref<160xi32, #tpu.memory_space<vmem>>, vector<16xi32>,
      %swap3A_59 = vector.shape_cast %swap3A_58 : vector<16xi32> to vector<16xi32>
      %swap3A_60 = vector.shape_cast %add3A_56 : vector<16xi32> to vector<16xi32>
      tpu.vector_store %arg5[%swap3A_57], %swap3A_60 {strides = array<i32>} : memref<160xi32, #tpu.memory_space<vmem>>, vector<16xi32>,
      %get3A_61 = arith.constant 32 : index
      %get3A_62 = tpu.vector_load %arg5[%get3A_61] {strides = array<i32>} : memref<160xi32, #tpu.memory_space<vmem>>, vector<16xi32>,
      %get3A_63 = vector.shape_cast %get3A_62 : vector<16xi32> to vector<16xi32>
      %add3A_64 = vector.broadcast %mul3A_32 : i32 to vector<16xi32>
      %add3A_65 = arith.addi %get3A_63, %add3A_64 : vector<16xi32>
      %swap3A_66 = arith.constant 32 : index
      %swap3A_67 = tpu.vector_load %arg5[%swap3A_66] {strides = array<i32>} : memref<160xi32, #tpu.memory_space<vmem>>, vector<16xi32>,
      %swap3A_68 = vector.shape_cast %swap3A_67 : vector<16xi32> to vector<16xi32>
      %swap3A_69 = vector.shape_cast %add3A_65 : vector<16xi32> to vector<16xi32>
      tpu.vector_store %arg5[%swap3A_66], %swap3A_69 {strides = array<i32>} : memref<160xi32, #tpu.memory_space<vmem>>, vector<16xi32>,
      %get3A_70 = arith.constant 48 : index
      %get3A_71 = tpu.vector_load %arg5[%get3A_70] {strides = array<i32>} : memref<160xi32, #tpu.memory_space<vmem>>, vector<16xi32>,
      %get3A_72 = vector.shape_cast %get3A_71 : vector<16xi32> to vector<16xi32>
      %add3A_73 = vector.broadcast %mul3A_32 : i32 to vector<16xi32>
      %add3A_74 = arith.addi %get3A_72, %add3A_73 : vector<16xi32>
      %swap3A_75 = arith.constant 48 : index
      %swap3A_76 = tpu.vector_load %arg5[%swap3A_75] {strides = array<i32>} : memref<160xi32, #tpu.memory_space<vmem>>, vector<16xi32>,
      %swap3A_77 = vector.shape_cast %swap3A_76 : vector<16xi32> to vector<16xi32>
      %swap3A_78 = vector.shape_cast %add3A_74 : vector<16xi32> to vector<16xi32>
      tpu.vector_store %arg5[%swap3A_75], %swap3A_78 {strides = array<i32>} : memref<160xi32, #tpu.memory_space<vmem>>, vector<16xi32>,
      %get3A_79 = arith.constant 64 : index
      %get3A_80 = tpu.vector_load %arg5[%get3A_79] {strides = array<i32>} : memref<160xi32, #tpu.memory_space<vmem>>, vector<16xi32>,
      %get3A_81 = vector.shape_cast %get3A_80 : vector<16xi32> to vector<16xi32>
      %add3A_82 = vector.broadcast %mul3A_32 : i32 to vector<16xi32>
      %add3A_83 = arith.addi %get3A_81, %add3A_82 : vector<16xi32>
      %swap3A_84 = arith.constant 64 : index
      %swap3A_85 = tpu.vector_load %arg5[%swap3A_84] {strides = array<i32>} : memref<160xi32, #tpu.memory_space<vmem>>, vector<16xi32>,
      %swap3A_86 = vector.shape_cast %swap3A_85 : vector<16xi32> to vector<16xi32>
      %swap3A_87 = vector.shape_cast %add3A_83 : vector<16xi32> to vector<16xi32>
      tpu.vector_store %arg5[%swap3A_84], %swap3A_87 {strides = array<i32>} : memref<160xi32, #tpu.memory_space<vmem>>, vector<16xi32>,
      %get3A_88 = arith.constant 80 : index
      %get3A_89 = tpu.vector_load %arg5[%get3A_88] {strides = array<i32>} : memref<160xi32, #tpu.memory_space<vmem>>, vector<16xi32>,
      %get3A_90 = vector.shape_cast %get3A_89 : vector<16xi32> to vector<16xi32>
      %add3A_91 = vector.broadcast %mul3A_32 : i32 to vector<16xi32>
      %add3A_92 = arith.addi %get3A_90, %add3A_91 : vector<16xi32>
      %swap3A_93 = arith.constant 80 : index
      %swap3A_94 = tpu.vector_load %arg5[%swap3A_93] {strides = array<i32>} : memref<160xi32, #tpu.memory_space<vmem>>, vector<16xi32>,
      %swap3A_95 = vector.shape_cast %swap3A_94 : vector<16xi32> to vector<16xi32>
      %swap3A_96 = vector.shape_cast %add3A_92 : vector<16xi32> to vector<16xi32>
      tpu.vector_store %arg5[%swap3A_93], %swap3A_96 {strides = array<i32>} : memref<160xi32, #tpu.memory_space<vmem>>, vector<16xi32>,
      %get3A_97 = arith.constant 96 : index
      %get3A_98 = tpu.vector_load %arg5[%get3A_97] {strides = array<i32>} : memref<160xi32, #tpu.memory_space<vmem>>, vector<16xi32>,
      %get3A_99 = vector.shape_cast %get3A_98 : vector<16xi32> to vector<16xi32>
      %add3A_100 = vector.broadcast %mul3A_32 : i32 to vector<16xi32>
      %add3A_101 = arith.addi %get3A_99, %add3A_100 : vector<16xi32>
      %swap3A_102 = arith.constant 96 : index
      %swap3A_103 = tpu.vector_load %arg5[%swap3A_102] {strides = array<i32>} : memref<160xi32, #tpu.memory_space<vmem>>, vector<16xi32>,
      %swap3A_104 = vector.shape_cast %swap3A_103 : vector<16xi32> to vector<16xi32>
      %swap3A_105 = vector.shape_cast %add3A_101 : vector<16xi32> to vector<16xi32>
      tpu.vector_store %arg5[%swap3A_102], %swap3A_105 {strides = array<i32>} : memref<160xi32, #tpu.memory_space<vmem>>, vector<16xi32>,
      %get3A_106 = arith.constant 112 : index
      %get3A_107 = tpu.vector_load %arg5[%get3A_106] {strides = array<i32>} : memref<160xi32, #tpu.memory_space<vmem>>, vector<16xi32>,
      %get3A_108 = vector.shape_cast %get3A_107 : vector<16xi32> to vector<16xi32>
      %add3A_109 = vector.broadcast %mul3A_32 : i32 to vector<16xi32>
      %add3A_110 = arith.addi %get3A_108, %add3A_109 : vector<16xi32>
      %swap3A_111 = arith.constant 112 : index
      %swap3A_112 = tpu.vector_load %arg5[%swap3A_111] {strides = array<i32>} : memref<160xi32, #tpu.memory_space<vmem>>, vector<16xi32>,
      %swap3A_113 = vector.shape_cast %swap3A_112 : vector<16xi32> to vector<16xi32>
      %swap3A_114 = vector.shape_cast %add3A_110 : vector<16xi32> to vector<16xi32>
      tpu.vector_store %arg5[%swap3A_111], %swap3A_114 {strides = array<i32>} : memref<160xi32, #tpu.memory_space<vmem>>, vector<16xi32>,
      %get3A_115 = arith.constant 128 : index
      %get3A_116 = tpu.vector_load %arg5[%get3A_115] {strides = array<i32>} : memref<160xi32, #tpu.memory_space<vmem>>, vector<16xi32>,
      %get3A_117 = vector.shape_cast %get3A_116 : vector<16xi32> to vector<16xi32>
      %add3A_118 = vector.broadcast %mul3A_32 : i32 to vector<16xi32>
      %add3A_119 = arith.addi %get3A_117, %add3A_118 : vector<16xi32>
      %swap3A_120 = arith.constant 128 : index
      %swap3A_121 = tpu.vector_load %arg5[%swap3A_120] {strides = array<i32>} : memref<160xi32, #tpu.memory_space<vmem>>, vector<16xi32>,
      %swap3A_122 = vector.shape_cast %swap3A_121 : vector<16xi32> to vector<16xi32>
      %swap3A_123 = vector.shape_cast %add3A_119 : vector<16xi32> to vector<16xi32>
      tpu.vector_store %arg5[%swap3A_120], %swap3A_123 {strides = array<i32>} : memref<160xi32, #tpu.memory_space<vmem>>, vector<16xi32>,
      %dma_start3A = arith.constant 0 : i32
      %dma_start3A_124 = arith.constant 0 : i32
      %dma_start3A_125 = tpu.memref_slice %arg6[%dma_start3A, %dma_start3A_124] : memref<160x768xf32, #tpu.memory_space<vmem>> -> memref<80x768xf32, #tpu.memory_space<vmem>>
      %dma_start3A_126 = arith.constant 0 : i32
      %dma_start3A_127 = tpu.memref_slice %arg5[%dma_start3A_126] : memref<160xi32, #tpu.memory_space<vmem>> -> memref<80xi32, #tpu.memory_space<vmem>>
      %dma_start3A_128 = arith.constant 0 : i32
      %dma_start3A_129 = arith.constant 0 : i32
      %dma_start3A_130 = tpu.memref_slice %arg2[%dma_start3A_128, %dma_start3A_129] : memref<16384x768xf32, #tpu.memory_space<hbm>> -> memref<16384x768xf32, #tpu.memory_space<hbm>>
      tpu.enqueue_indirect_dma source(%dma_start3A_130 : memref<16384x768xf32, #tpu.memory_space<hbm>>) target(%dma_start3A_125 : memref<80x768xf32, #tpu.memory_space<vmem>>) offsets(%dma_start3A_127 : memref<80xi32, #tpu.memory_space<vmem>>) semaphore(%arg7 : memref<!tpu.dma_semaphore, #tpu.memory_space<semaphore_mem>>)
      %dma_wait3A = arith.constant 0 : i32
      %dma_wait3A_131 = arith.constant 0 : i32
      %dma_wait3A_132 = tpu.memref_slice %arg6[%dma_wait3A, %dma_wait3A_131] : memref<160x768xf32, #tpu.memory_space<vmem>> -> memref<80x768xf32, #tpu.memory_space<vmem>>
      %dma_wait3A_133 = arith.constant 0 : i32
      %dma_wait3A_134 = tpu.memref_slice %arg5[%dma_wait3A_133] : memref<160xi32, #tpu.memory_space<vmem>> -> memref<80xi32, #tpu.memory_space<vmem>>
      %dma_wait3A_135 = arith.constant 0 : i32
      %dma_wait3A_136 = arith.constant 0 : i32
      %dma_wait3A_137 = tpu.memref_slice %arg2[%dma_wait3A_135, %dma_wait3A_136] : memref<16384x768xf32, #tpu.memory_space<hbm>> -> memref<16384x768xf32, #tpu.memory_space<hbm>>
      tpu.wait_indirect_dma semaphore(%arg7 : memref<!tpu.dma_semaphore, #tpu.memory_space<semaphore_mem>>) src(%dma_wait3A_137 : memref<16384x768xf32, #tpu.memory_space<hbm>>) dst(%dma_wait3A_132 : memref<80x768xf32, #tpu.memory_space<vmem>>)
      %dma_start3A_138 = arith.constant 80 : i32
      %dma_start3A_139 = arith.constant 0 : i32
      %dma_start3A_140 = tpu.memref_slice %arg6[%dma_start3A_138, %dma_start3A_139] : memref<160x768xf32, #tpu.memory_space<vmem>> -> memref<64x768xf32, #tpu.memory_space<vmem>>
      %dma_start3A_141 = arith.constant 80 : i32
      %dma_start3A_142 = tpu.memref_slice %arg5[%dma_start3A_141] : memref<160xi32, #tpu.memory_space<vmem>> -> memref<64xi32, #tpu.memory_space<vmem>>
      %dma_start3A_143 = arith.constant 0 : i32
      %dma_start3A_144 = arith.constant 0 : i32
      %dma_start3A_145 = tpu.memref_slice %arg2[%dma_start3A_143, %dma_start3A_144] : memref<16384x768xf32, #tpu.memory_space<hbm>> -> memref<16384x768xf32, #tpu.memory_space<hbm>>
      tpu.enqueue_indirect_dma source(%dma_start3A_145 : memref<16384x768xf32, #tpu.memory_space<hbm>>) target(%dma_start3A_140 : memref<64x768xf32, #tpu.memory_space<vmem>>) offsets(%dma_start3A_142 : memref<64xi32, #tpu.memory_space<vmem>>) semaphore(%arg7 : memref<!tpu.dma_semaphore, #tpu.memory_space<semaphore_mem>>)
      %dma_wait3A_146 = arith.constant 80 : i32
      %dma_wait3A_147 = arith.constant 0 : i32
      %dma_wait3A_148 = tpu.memref_slice %arg6[%dma_wait3A_146, %dma_wait3A_147] : memref<160x768xf32, #tpu.memory_space<vmem>> -> memref<64x768xf32, #tpu.memory_space<vmem>>
      %dma_wait3A_149 = arith.constant 80 : i32
      %dma_wait3A_150 = tpu.memref_slice %arg5[%dma_wait3A_149] : memref<160xi32, #tpu.memory_space<vmem>> -> memref<64xi32, #tpu.memory_space<vmem>>
      %dma_wait3A_151 = arith.constant 0 : i32
      %dma_wait3A_152 = arith.constant 0 : i32
      %dma_wait3A_153 = tpu.memref_slice %arg2[%dma_wait3A_151, %dma_wait3A_152] : memref<16384x768xf32, #tpu.memory_space<hbm>> -> memref<16384x768xf32, #tpu.memory_space<hbm>>
      tpu.wait_indirect_dma semaphore(%arg7 : memref<!tpu.dma_semaphore, #tpu.memory_space<semaphore_mem>>) src(%dma_wait3A_153 : memref<16384x768xf32, #tpu.memory_space<hbm>>) dst(%dma_wait3A_148 : memref<64x768xf32, #tpu.memory_space<vmem>>)
      "tpu.region"() ({
        %run_scoped3A = tpu.sem_alloc : memref<!tpu.dma_semaphore, #tpu.memory_space<semaphore_mem>>
        %dma_start3A_154 = arith.constant 0 : i32
        %dma_start3A_155 = arith.constant 0 : i32
        %dma_start3A_156 = tpu.memref_slice %arg6[%dma_start3A_154, %dma_start3A_155] : memref<160x768xf32, #tpu.memory_space<vmem>> -> memref<136x768xf32, #tpu.memory_space<vmem>>
        %dma_start3A_157 = arith.constant 160 : i32
        %dma_start3A_158 = arith.constant 0 : i32
        %dma_start3A_159 = tpu.memref_slice %arg4[%select_n3A, %dma_start3A_157, %dma_start3A_158] : memref<16x300x768xf32, #tpu.memory_space<hbm>> -> memref<1x136x768xf32, #tpu.memory_space<hbm>>
        %dma_start3A_160 = tpu.memref_squeeze %dma_start3A_159 : memref<1x136x768xf32, #tpu.memory_space<hbm>> -> memref<136x768xf32, #tpu.memory_space<hbm>>
        %dma_start3A_161 = arith.constant 160 : i32
        %dma_start3A_162 = arith.constant 0 : i32
        %dma_start3A_163 = tpu.memref_slice %arg4[%select_n3A, %dma_start3A_161, %dma_start3A_162] : memref<16x300x768xf32, #tpu.memory_space<hbm>> -> memref<1x136x768xf32, #tpu.memory_space<hbm>>
        %dma_start3A_164 = tpu.memref_squeeze %dma_start3A_163 : memref<1x136x768xf32, #tpu.memory_space<hbm>> -> memref<136x768xf32, #tpu.memory_space<hbm>>
        %dma_start3A_165 = arith.constant 0 : i32
        %dma_start3A_166 = arith.constant 0 : i32
        %dma_start3A_167 = tpu.memref_slice %arg6[%dma_start3A_165, %dma_start3A_166] : memref<160x768xf32, #tpu.memory_space<vmem>> -> memref<136x768xf32, #tpu.memory_space<vmem>>
        tpu.enqueue_dma source(%dma_start3A_167 : memref<136x768xf32, #tpu.memory_space<vmem>>) target(%dma_start3A_164 : memref<136x768xf32, #tpu.memory_space<hbm>>) target_semaphore(%run_scoped3A : memref<!tpu.dma_semaphore, #tpu.memory_space<semaphore_mem>>)
        %dma_wait3A_168 = arith.constant 0 : i32
        %dma_wait3A_169 = arith.constant 0 : i32
        %dma_wait3A_170 = tpu.memref_slice %arg6[%dma_wait3A_168, %dma_wait3A_169] : memref<160x768xf32, #tpu.memory_space<vmem>> -> memref<136x768xf32, #tpu.memory_space<vmem>>
        %dma_wait3A_171 = arith.constant 160 : i32
        %dma_wait3A_172 = arith.constant 0 : i32
        %dma_wait3A_173 = tpu.memref_slice %arg4[%select_n3A, %dma_wait3A_171, %dma_wait3A_172] : memref<16x300x768xf32, #tpu.memory_space<hbm>> -> memref<1x136x768xf32, #tpu.memory_space<hbm>>
        %dma_wait3A_174 = tpu.memref_squeeze %dma_wait3A_173 : memref<1x136x768xf32, #tpu.memory_space<hbm>> -> memref<136x768xf32, #tpu.memory_space<hbm>>
        %dma_wait3A_175 = arith.constant 160 : i32
        %dma_wait3A_176 = arith.constant 0 : i32
        %dma_wait3A_177 = tpu.memref_slice %arg4[%select_n3A, %dma_wait3A_175, %dma_wait3A_176] : memref<16x300x768xf32, #tpu.memory_space<hbm>> -> memref<1x136x768xf32, #tpu.memory_space<hbm>>
        %dma_wait3A_178 = tpu.memref_squeeze %dma_wait3A_177 : memref<1x136x768xf32, #tpu.memory_space<hbm>> -> memref<136x768xf32, #tpu.memory_space<hbm>>
        %dma_wait3A_179 = arith.constant 0 : i32
        %dma_wait3A_180 = arith.constant 0 : i32
        %dma_wait3A_181 = tpu.memref_slice %arg6[%dma_wait3A_179, %dma_wait3A_180] : memref<160x768xf32, #tpu.memory_space<vmem>> -> memref<136x768xf32, #tpu.memory_space<vmem>>
        tpu.wait_dma2 semaphore(%run_scoped3A : memref<!tpu.dma_semaphore, #tpu.memory_space<semaphore_mem>>) src(%dma_wait3A_181 : memref<136x768xf32, #tpu.memory_space<vmem>>) dst(%dma_wait3A_178 : memref<136x768xf32, #tpu.memory_space<hbm>>)
        tpu.yield
      }) : () -> ()
    } else {
    }
    return
  }
}

</mosaic_0001>

<sc_bundles>
// kernel: kernel.3.cloned.1.call-start
scs
__scs_entry_jumppad:
0x0: {  	(pc) =	sbr.rel $0x88, $3  }
0x1: {  	(tag) =	ssettag $0x0;
	lr =	simm.s32 $0x1  }
0x2: {  	[smem:$0x3F9F] =	sst lr;
	_ =	strace $0xD0000000  }
0x3: {  	_ = 	snop  }
0x4: {  	_ = 	snop  }
0x5: {  	_ = 	snop  }
0x6: {  	_ = 	snop  }
0x7: {  	_ = 	snop  }
__scs_overlays_trampoline_lowered:
0x8: {  	[smem:$0x3FAE] =	sst s0  }
0x9: {  	[smem:$0x3FAF] =	sst s1  }
0xa: {  	[smem:$0x3FB0] =	sst s2  }
0xb: {  	[smem:$0x3FB1] =	sst s3  }
0xc: {  	[smem:$0x3FB2] =	sst s4  }
0xd: {  	[smem:$0x3FB3] =	sst s5  }
0xe: {  	[smem:$0x3FB4] =	sst s6  }
0xf: {  	[smem:$0x3FB5] =	sst s7  }
0x10: {  	[smem:$0x3FB6] =	sst s8  }
0x11: {  	[smem:$0x3FB7] =	sst s9;
	s0 =	simm.s32 @!p0 $0x0  }
0x12: {  	s1 =	sld [smem:$0x3F9D];
	s0 =	simm.s32 @p0 $0x1  }
0x13: {  	[smem:$0x3FB8] =	sst s0;
	s0 =	simm.s32 @!p1 $0x0  }
0x14: {  	s2 =	sld [smem:$0x3F9C];
	s0 =	simm.s32 @p1 $0x1  }
0x15: {  	[smem:$0x3FB9] =	sst s0;
	s0 =	simm.s32 @!p2 $0x0  }
0x16: {  	s3 =	sld [smem:$0x3FDB];
	s0 =	simm.s32 @p2 $0x1  }
0x17: {  	s4 =	simm.s32 $0x1BF5;
	[smem:$0x3FBB] =	sst s0  }
0x18: {  	s0 =	sld [smem:$0x3F9E];
	_ =	swait.ge [sflag:s4], $0x0  }
0x19: {  	s7 =	sld [smem:$0x3F9F]  }
0x1a: {  	s8 =	sadd.s32 $0xFFFFE003, lr  }
0x1b: {  	s9 =	sadd.s32 $0xFFFFFEF7, lr;
	s5 =	simm.s32 $0xFFFFFFFF;
	p2 =	slt.u32 s8, $0xFFFFF086  }
0x1c: {  	p1 =	slt.u32 s9, $0xF7A;
	s5 =	simm.s32 @!p2 $0x0  }
0x1d: {  	s5 =	simm.s32 @p1 $0x1;
	p0 =	seq.s32 s7, s2  }
0x1e: {  	s7 =	smul.u32 @!p0 $0xF7A, s2;
	p2 =	seq.s32 @!p0 s5, $0x0  }
0x1f: {  	s9 =	smul.u32 $0xF7A, s1;
	s8 =	simm.s32 @!p0 $0x1BF5;
	p2 =	por !p2, p0  }
0x20: {  	[sflag:s8] =	ssyncset.s32 @!p0 $0xFFFFF086;
	s6 =	sadd.s32 @!p0 s3, s7;
	s7 =	simm.s32 @!p0 $0x108  }
0x21: {  	s3 =	sadd.s32 s3, s9;
	s6 =	sadd.s32 @!p0 $0x88, s6;
	s7 =	simm.s32 @p2 $0x1082  }
0x22: {  	[simem:s7], [sflag:s8] =	dma.local @!p0 [hbm:s6], $0xF7A  }
0x23: {  	s9 =	sor.u32 $0xD0000000, s2;
	s6 =	simm.s32 $0x108;
	_ =	swait.ge @!p0 [sflag:s8], $0x0  }
0x24: {  	s3 =	sadd.s32 $0x88, s3;
	s6 =	simm.s32 @!p1 $0x1082;
	[sflag:s4] =	ssyncset.s32 $0xFFFFF086  }
0x25: {  	[simem:s6], [sflag:s4] =	dma.local [hbm:s3], $0xF7A  }
0x26: {  	[smem:$0x3F9F] =	sst s1;
	(tag) =	ssettag s2;
	_ =	strace s9  }
0x27: {  	s1 =	sld [smem:$0x3FAF]  }
0x28: {  	s2 =	sld [smem:$0x3FB0]  }
0x29: {  	s4 =	sld [smem:$0x3FB2]  }
0x2a: {  	p0 =	seq.s32 s5, $0x0;
	s5 =	sld [smem:$0x3FB3]  }
0x2b: {  	s6 =	sld [smem:$0x3FB4]  }
0x2c: {  	s7 =	sld [smem:$0x3FB5]  }
0x2d: {  	s3 =	simm.s32 $0x108;
	s8 =	sld [smem:$0x3FB6]  }
0x2e: {  	s3 =	simm.s32 @!p0 $0x1082;
	s9 =	sld [smem:$0x3FB7]  }
0x2f: {  	lr =	sadd.s32 s0, s3;
	s0 =	sld [smem:$0x3FAE]  }
0x30: {  	s3 =	sld [smem:$0x3FB1]  }
0x31: {  	[smem:$0x3FBA] =	sst s10  }
0x32: {  	s10 =	sld [smem:$0x3FB8];
	_ =	sdelay $0x3  }
0x33: {  	p0 =	seq.s32 s10, $0x1;
	s10 =	sld [smem:$0x3FBA];
	_ =	sdelay $0x3  }
0x34: {  	[smem:$0x3FBA] =	sst s10  }
0x35: {  	s10 =	sld [smem:$0x3FB9];
	_ =	sdelay $0x3  }
0x36: {  	p1 =	seq.s32 s10, $0x1;
	s10 =	sld [smem:$0x3FBA];
	_ =	sdelay $0x3  }
0x37: {  	[smem:$0x3FBA] =	sst s10  }
0x38: {  	s10 =	sld [smem:$0x3FBB]  }
0x39: {  	_ = 	snop;
	(pc) =	sbr.ind lr, $3  }
0x3a: {  	_ = 	snop  }
0x3b: {  	_ = 	snop  }
0x3c: {  	p2 =	seq.s32 s10, $0x1;
	s10 =	sld [smem:$0x3FBA]  }
0x3d: {  	_ =	shalt  }
0x3e: {  	_ =	shalt  }
0x3f: {  	_ =	shalt  }
0x40: {  	_ =	shalt  }
0x41: {  	_ =	shalt  }
0x42: {  	_ =	shalt  }
0x43: {  	_ =	shalt  }
0x44: {  	_ =	shalt  }
0x45: {  	_ =	shalt  }
0x46: {  	_ =	shalt  }
0x47: {  	_ =	shalt  }
0x48: {  	_ =	shalt  }
0x49: {  	_ =	shalt  }
0x4a: {  	_ =	shalt  }
0x4b: {  	_ =	shalt  }
0x4c: {  	_ =	shalt  }
0x4d: {  	_ =	shalt  }
0x4e: {  	_ =	shalt  }
0x4f: {  	_ =	shalt  }
0x50: {  	_ =	shalt  }
0x51: {  	_ =	shalt  }
0x52: {  	_ =	shalt  }
0x53: {  	_ =	shalt  }
0x54: {  	_ =	shalt  }
0x55: {  	_ =	shalt  }
0x56: {  	_ =	shalt  }
0x57: {  	_ =	shalt  }
0x58: {  	_ =	shalt  }
0x59: {  	_ =	shalt  }
0x5a: {  	_ =	shalt  }
0x5b: {  	_ =	shalt  }
0x5c: {  	_ =	shalt  }
0x5d: {  	_ =	shalt  }
0x5e: {  	_ =	shalt  }
0x5f: {  	_ =	shalt  }
0x60: {  	_ =	shalt  }
0x61: {  	_ =	shalt  }
0x62: {  	_ =	shalt  }
0x63: {  	_ =	shalt  }
0x64: {  	_ =	shalt  }
0x65: {  	_ =	shalt  }
0x66: {  	_ =	shalt  }
0x67: {  	_ =	shalt  }
0x68: {  	_ =	shalt  }
0x69: {  	_ =	shalt  }
0x6a: {  	_ =	shalt  }
0x6b: {  	_ =	shalt  }
0x6c: {  	_ =	shalt  }
0x6d: {  	_ =	shalt  }
0x6e: {  	_ =	shalt  }
0x6f: {  	_ =	shalt  }
0x70: {  	_ =	shalt  }
0x71: {  	_ =	shalt  }
0x72: {  	_ =	shalt  }
0x73: {  	_ =	shalt  }
0x74: {  	_ =	shalt  }
0x75: {  	_ =	shalt  }
0x76: {  	_ =	shalt  }
0x77: {  	_ =	shalt  }
0x78: {  	_ =	shalt  }
0x79: {  	_ =	shalt  }
0x7a: {  	_ =	shalt  }
0x7b: {  	_ =	shalt  }
0x7c: {  	_ =	shalt  }
0x7d: {  	_ =	shalt  }
0x7e: {  	_ =	shalt  }
0x7f: {  	_ =	shalt  }
0x80: {  	_ =	shalt  }
0x81: {  	_ =	shalt  }
0x82: {  	_ =	shalt  }
0x83: {  	_ =	shalt  }
0x84: {  	_ =	shalt  }
0x85: {  	_ =	shalt  }
0x86: {  	_ =	shalt  }
0x87: {  	_ =	shalt  }
.Lfunc_end0:
.L_simem_size_0:
called_computation_lowered:
.L_overlay_start_0:
0x88: {  	s2 =	sld [smem:$0x3FD9]  }
0x89: {  	s3 =	sld [smem:$0x3FFE];
	_ =	sdelay $0x1  }
0x8a: {  	s1 =	srdreg.scid  }
0x8b: {  	s0 =	sand.u32 $0x1, s1  }
0x8c: {  	s17 =	sshll.u32 s0, $0xA;
	s2 =	sadd.s32 s3, s2  }
0x8d: {  	s2 =	sadd.s32 s2, s17  }
0x8e: {  	[smem:$0x3FC6] =	sst s2  }
0x8f: {  	_ = 	snop  }
0x90: {  	s2 =	sld [smem:$0x3FC9]  }
0x91: {  	s18 =	sld [smem:$0x3FD0];
	(tm) =	ssettm $0x1  }
0x92: {  	s4 =	sld [smem:$0x3FFB];
	_ =	sdelay $0x3  }
0x93: {  	_ =	strace s4  }
0x94: {  	s4 =	sld [smem:$0x3FFC];
	_ =	sdelay $0x3  }
0x95: {  	_ =	strace s4  }
0x96: {  	s4 =	sld [smem:$0x3FFD];
	_ =	sdelay $0x3  }
0x97: {  	_ =	strace s4  }
0x98: {  	_ =	strace $0x8FFFFFFF  }
0x99: {  	s19 =	sld [smem:$0x3FDB];
	_ =	sdelay $0x1  }
0x9a: {  	s5 =	simm.s32 $_scs_section_size  }
0x9b: {  	s6 =	simm.s32 $_size__tile_overlayer_lowered;
	s7 =	simm.s32 $_tile_overlayer_lowered  }
0x9c: {  	s22 =	simm.s32 $0x1BFF;
	s21 =	sshll.u32 s7, $0x1;
	s4 =	sadd.s32 s5, s19  }
0x9d: {  	s8 =	simm.s32 $0x0;
	s20 =	sshll.u32 s6, $0x1;
	s6 =	sadd.s32 s21, s4  }
0x9e: {  	[timem:s8], [sflag:s22] =	dma.local [hbm:s6], s20  }
0x9f: {  	_ =	swait.ge [sflag:s22], s20  }
0xa0: {  	s5 =	ssub.s32 $0x0, s20;
	[sflag:s22] =	ssyncset.done $0x0  }
0xa1: {  	[sflag:s22] =	ssyncadd.s32 s5;
	_ =	sdelay $0x1  }
0xa2: {  	s23 =	simm.s32 $0x1B8B  }
0xa3: {  	_ =	swait.ge [sflag:s23], $0x1  }
0xa4: {  	[sflag:s23] =	ssyncset.done $0x0  }
0xa5: {  	s25 =	simm.s32 $0x1B8E;
	s24 =	sld [smem:$0x3FFE];
	[sflag:s23] =	ssyncadd.s32 $0xFFFFFFFF  }
0xa6: {  	s26 =	simm.s32 $execute0_lowered;
	[smem:$0x3FD2] =	sst s25  }
0xa7: {  	s6 =	sshll.u32 s26, $0x1;
	_ =	strace $0x80000046;
	[dreg:$0x1] =	wrdreg $0xFFFFFFFF  }
0xa8: {  	s28 =	simm.s32 $_size_execute0_lowered;
	s4 =	sadd.s32 s4, s6;
	[dreg:$0x0] =	wrdreg $0x0  }
0xa9: {  	s6 =	sshll.u32 s28, $0x1;
	[dreg:$0x2] =	wrdreg s4  }
0xaa: {  	[dreg:$0x3] =	wrdreg s6  }
0xab: {  	[dreg:$0x4] =	wrdreg $0xC0  }
0xac: {  	_ =	task [dreg:s8], $0x5FFFF  }
0xad: {  	[dreg:$0x1] =	wrdreg $0xFFFFFFFF  }
0xae: {  	[dreg:$0x0] =	wrdreg $0x60  }
0xaf: {  	[dreg:$0x2] =	wrdreg s2  }
0xb0: {  	[dreg:$0x3] =	wrdreg s18  }
0xb1: {  	[dreg:$0x4] =	wrdreg s24  }
0xb2: {  	[dreg:$0x5] =	wrdreg $0x9  }
0xb3: {  	_ =	task.clear_ibuf [dreg:s8], $0x6FFFF;
	_ =	strace $0x90000046  }
0xb4: {  	s29 =	simm.s32 $0x9;
	_ =	strace $0x80000048  }
0xb5: {  	_ =	swait.ge [sflag:s29], $0x1  }
0xb6: {  	[sflag:s29] =	ssyncadd.s32 $0xFFFFFFFF  }
0xb7: {  	_ =	strace $0x90000048  }
0xb8: {  	_ =	sfence  }
0xb9: {  	s30 =	sld [smem:$0x0];
	_ =	sdelay $0x2  }
0xba: {  	s31 =	sshll.u32 s1, $0xD;
	s1 =	sshrl.u32 s1, $0x2  }
0xbb: {  	s3 =	sand.u32 $0x4000, s31;
	s1 =	sadd.s32 s1, s30  }
0xbc: {  	s0 =	sor.u32 s3, s0;
	s1 =	sshll.u32 s1, $0x11  }
0xbd: {  	s0 =	sor.u32 s1, s0  }
0xbe: {  	s0 =	sadd.s32 $0x8F2B, s0  }
0xbf: {  	[sflag:s0] =	ssyncadd.remote.s32 $0x1  }
0xc0: {  	_ =	sfence.sel $0xFFFF  }
0xc1: {  	[dreg:$0x0] =	wrdreg $0xFFFFFFFF;
	(pc) =	sbr.abs _section_cstart, $3  }
0xc2: {  	[dreg:$0x1] =	wrdreg $0xFFFFFFFF  }
0xc3: {  	_ =	task.clear_ibuf [dreg:s8], $0x2FFFF;
	_ =	strace $0x9FFFFFFF  }
0xc4: {  	(tm) =	ssettm $0x7FFFFFFF  }
0xc5: {  	_ =	shalt  }
tec
execute0_lowered:
.L_overlay_start_1:
0x0: {  	(tag) =	ssettag $0x1  }
0x1: {  	s0 =	srdreg.scid;
	s1 =	rddreg [dreg:$0x0]  }
0x2: {  	s6 =	stileid.u32;
	s23 =	rddreg [dreg:$0x1]  }
0x3: {  	s4 =	rddreg [dreg:$0x2];
	s5 =	simm.s32 $0x1;
	s3 =	simm.s32 $0x0  }
0x4: {  	s12 =	simm.s32 $0x2;
	s13 =	simm.s32 $0x100;
	s28 =	simm.s32 $0x11900  }
0x5: {  	s29 =	simm.s32 $0x12100;
	s30 =	simm.s32 $0x12900;
	s31 =	simm.s32 $0x13100  }
0x6: {  	s14 =	simm.s32 $0x15900;
	s15 =	simm.s32 $0x16100;
	s16 =	simm.s32 $0x16900  }
0x7: {  	s17 =	simm.s32 $0x17100;
	s18 =	simm.s32 $0x17900;
	s0 =	sand.u32 $0x1, s0  }
0x8: {  	s19 =	simm.s32 $0x18100;
	s20 =	simm.s32 $0x18900;
	s2 =	sor.u32 s0, s6  }
0x9: {  	s21 =	simm.s32 $0x19100;
	p0 =	seq.s32 s0, $0x1;
	p1 =	seq.s32 s2, $0x0  }
0xa: {  	s22 =	simm.s32 $0x19900;
	[smem:$0x7FF] =	sst s3;
	p1 =	por !p1, !p0  }
0xb: {  	s8 =	sadd.s32 $0x600, s4;
	s4 =	simm.s32 $0x1;
	p1 =	por !p1, !p1  }
0xc: {  	_ =	strace $0x80000047;
	s24 =	ssub.s32 $0x2, s0;
	s5 =	simm.s32 @!p1 $0x0  }
0xd: {  	s25 =	sshrl.u32 s24, $0x1;
	s2 =	simm.s32 $0x13900;
	s5 =	ssub.s32 s6, s5  }
0xe: {  	s11 =	ssub.s32 s24, s25;
	s24 =	simm.s32 $0x1A900;
	s7 =	smul.u32 $0x26, s5  }
0xf: {  	s11 =	smax.u32 s11, $0x1;
	p1 =	seq.s32 s0, $0x0;
	s9 =	smul.u32 $0x130, s5  }
0x10: {  	s0 =	simm.s32 $0x14100;
	s6 =	sadd.s32 $0x100, s1;
	s10 =	smul.u32 $0x39000, s5  }
0x11: {  	s25 =	sshll.u32 s5, $0xA;
	s5 =	smul.u32 $0x7200, s5;
	s26 =	sadd.s32 s23, s7  }
.Ltmp0:
0x12: {  	s9 =	sadd.s32 $0xA0, s9;
	s10 =	sadd.s32 $0x1E000, s10;
	(pc) =	sbr.rel .LBB2_1-.Ltmp0, $4  }
0x13: {  	s7 =	sadd.s32 $0x200, s1;
	s5 =	sadd.s32 s8, s5;
	[dreg:$0x4] =	wrdreg s26  }
0x14: {  	v3 =	vlaneseq.u32;
	s9 =	sshrl.u32 s9, $0x3;
	s10 =	sshrl.u32 s10, $0x3;
	[dreg:$0x5] =	wrdreg s5  }
0x15: {  	vm0 =	vmmov $0xffff;
	v1 =	vand.u32 $0x7, v3;
	v2 =	vshrl.u32 v3, $0x3;
	s26 =	simm.s32 $0x11100;
	s5 =	simm.s32 $0x14900;
	s9 =	sadd.s32 s23, s9  }
0x16: {  	v3 =	vor.u32 $0x8, v3;
	v2 =	vmul.u32 $0x8, v2;
	v0 =	vmov s25;
	s10 =	sadd.s32 s8, s10;
	s8 =	simm.s32 $0x15100;
	s23 =	simm.s32 $0x1A100  }
.LBB2_3:
0x17: {  	[tilespmem:s3], [sflag:$0x2] =	stream.linear.gather [hbm4b:s9+s3], $0x90, $0x38;
	[tilespmem:$0x1E100] =	vst v63  }
0x18: {  	_ =	swait.ge [sflag:s12], $0x90  }
0x19: {  	[sflag:s12] =	ssyncset.done $0x0  }
0x1a: {  	[sflag:s12] =	ssyncadd.s32 $0xFFFFFF70  }
0x1b: {  	v4 =	vld [tilespmem:$0x0];
	_ =	sdelay $0x2  }
0x1c: {  	v5 =	vld [tilespmem:$0x10]  }
0x1d: {  	v6 =	vld [tilespmem:$0x20]  }
0x1e: {  	v8 =	vld [tilespmem:$0x30];
	v7 =	vadd.s32 v0, v4  }
0x1f: {  	v9 =	vld [tilespmem:$0x40];
	v10 =	vshrl.u32 v7, $0x3  }
0x20: {  	v11 =	vld [tilespmem:$0x50];
	v10 =	vmul.u32 $0x30, v10  }
0x21: {  	v60 =	vld [tilespmem:$0x60];
	v5 =	vadd.s32 v0, v5;
	v4 =	vand.u32 $0x7, v4;
	[tilespmem:$0x0] =	vst v7  }
0x22: {  	v61 =	vld [tilespmem:$0x70];
	[tilespmem:$0x10] =	vst v5;
	v5 =	vadd.s32 v0, v6;
	v4 =	vor.u32 v4, v10  }
0x23: {  	v62 =	vld [tilespmem:$0x80];
	[tilespmem:$0x20] =	vst v5;
	v5 =	vadd.s32 v0, v8;
	v10 =	vperm.xlane v4, v1  }
0x24: {  	[tilespmem:$0x30] =	vst v5;
	v5 =	vadd.s32 v0, v9  }
0x25: {  	[tilespmem:$0x40] =	vst v5;
	v5 =	vadd.s32 v0, v11;
	v63 =	vadd.s32 v2, v10  }
0x26: {  	[tilespmem:$0x50] =	vst v5;
	v5 =	vadd.s32 v0, v60  }
0x27: {  	[tilespmem:$0x60] =	vst v5;
	v5 =	vadd.s32 v0, v61  }
0x28: {  	[tilespmem:$0x70] =	vst v5;
	v5 =	vadd.s32 v0, v62  }
0x29: {  	v4 =	vperm.xlane v4, v3;
	[tilespmem:$0x80] =	vst v5  }
0x2a: {  	[tilespmem:s13], [sflag:$0x1] =	stream.indirect_vreg.gather [hbm4b:s1+s3], $0x80, v63, vm0, $0xb8;
	[tilespmem:$0x1E100] =	vst v63  }
0x2b: {  	s25 =	simm.s32 $0x900;
	v4 =	vadd.s32 v2, v4  }
0x2c: {  	[tilespmem:s25], [sflag:$0x1] =	stream.indirect_vreg.gather [hbm4b:s6+s3], $0x80, v63, vm0, $0xb8;
	[tilespmem:$0x1E100] =	vst v63  }
0x2d: {  	s25 =	simm.s32 $0x1100  }
0x2e: {  	[tilespmem:s25], [sflag:$0x1] =	stream.indirect_vreg.gather [hbm4b:s7+s3], $0x80, v63, vm0, $0xb8;
	[tilespmem:$0x1E100] =	vst v63  }
0x2f: {  	s25 =	simm.s32 $0x1900  }
0x30: {  	[tilespmem:s25], [sflag:$0x1] =	stream.indirect_vreg.gather [hbm4b:s1+s3], $0x80, v4, vm0, $0xb8;
	[tilespmem:$0x1E100] =	vst v63  }
0x31: {  	s25 =	simm.s32 $0x2100  }
0x32: {  	[tilespmem:s25], [sflag:$0x1] =	stream.indirect_vreg.gather [hbm4b:s6+s3], $0x80, v4, vm0, $0xb8;
	[tilespmem:$0x1E100] =	vst v63  }
0x33: {  	s25 =	simm.s32 $0x2900  }
0x34: {  	[tilespmem:s25], [sflag:$0x1] =	stream.indirect_vreg.gather [hbm4b:s7+s3], $0x80, v4, vm0, $0xb8;
	[tilespmem:$0x1E100] =	vst v63  }
0x35: {  	v4 =	vld [tilespmem:$0x10];
	_ =	sdelay $0x4  }
0x36: {  	v5 =	vshrl.u32 v4, $0x3  }
0x37: {  	v5 =	vmul.u32 $0x30, v5  }
0x38: {  	v4 =	vand.u32 $0x7, v4  }
0x39: {  	v4 =	vor.u32 v4, v5  }
0x3a: {  	v5 =	vperm.xlane v4, v1;
	_ =	sdelay $0x1  }
0x3b: {  	v5 =	vadd.s32 v2, v5;
	_ =	sdelay $0x3  }
0x3c: {  	s25 =	simm.s32 $0x3100;
	v4 =	vperm.xlane v4, v3  }
0x3d: {  	[tilespmem:s25], [sflag:$0x1] =	stream.indirect_vreg.gather [hbm4b:s1+s3], $0x80, v5, vm0, $0xb8;
	[tilespmem:$0x1E100] =	vst v63  }
0x3e: {  	v4 =	vadd.s32 v2, v4;
	s25 =	simm.s32 $0x3900  }
0x3f: {  	[tilespmem:s25], [sflag:$0x1] =	stream.indirect_vreg.gather [hbm4b:s6+s3], $0x80, v5, vm0, $0xb8;
	[tilespmem:$0x1E100] =	vst v63  }
0x40: {  	s25 =	simm.s32 $0x4100  }
0x41: {  	[tilespmem:s25], [sflag:$0x1] =	stream.indirect_vreg.gather [hbm4b:s7+s3], $0x80, v5, vm0, $0xb8;
	[tilespmem:$0x1E100] =	vst v63  }
0x42: {  	s25 =	simm.s32 $0x4900  }
0x43: {  	[tilespmem:s25], [sflag:$0x1] =	stream.indirect_vreg.gather [hbm4b:s1+s3], $0x80, v4, vm0, $0xb8;
	[tilespmem:$0x1E100] =	vst v63  }
0x44: {  	s25 =	simm.s32 $0x5100  }
0x45: {  	[tilespmem:s25], [sflag:$0x1] =	stream.indirect_vreg.gather [hbm4b:s6+s3], $0x80, v4, vm0, $0xb8;
	[tilespmem:$0x1E100] =	vst v63  }
0x46: {  	s25 =	simm.s32 $0x5900  }
0x47: {  	[tilespmem:s25], [sflag:$0x1] =	stream.indirect_vreg.gather [hbm4b:s7+s3], $0x80, v4, vm0, $0xb8;
	[tilespmem:$0x1E100] =	vst v63  }
0x48: {  	v4 =	vld [tilespmem:$0x20];
	_ =	sdelay $0x4  }
0x49: {  	v5 =	vshrl.u32 v4, $0x3  }
0x4a: {  	v5 =	vmul.u32 $0x30, v5  }
0x4b: {  	v4 =	vand.u32 $0x7, v4  }
0x4c: {  	v4 =	vor.u32 v4, v5  }
0x4d: {  	v5 =	vperm.xlane v4, v1;
	_ =	sdelay $0x1  }
0x4e: {  	v5 =	vadd.s32 v2, v5;
	_ =	sdelay $0x3  }
0x4f: {  	s25 =	simm.s32 $0x6100;
	v4 =	vperm.xlane v4, v3  }
0x50: {  	[tilespmem:s25], [sflag:$0x1] =	stream.indirect_vreg.gather [hbm4b:s1+s3], $0x80, v5, vm0, $0xb8;
	[tilespmem:$0x1E100] =	vst v63  }
0x51: {  	v4 =	vadd.s32 v2, v4;
	s25 =	simm.s32 $0x6900  }
0x52: {  	[tilespmem:s25], [sflag:$0x1] =	stream.indirect_vreg.gather [hbm4b:s6+s3], $0x80, v5, vm0, $0xb8;
	[tilespmem:$0x1E100] =	vst v63  }
0x53: {  	s25 =	simm.s32 $0x7100  }
0x54: {  	[tilespmem:s25], [sflag:$0x1] =	stream.indirect_vreg.gather [hbm4b:s7+s3], $0x80, v5, vm0, $0xb8;
	[tilespmem:$0x1E100] =	vst v63  }
0x55: {  	s25 =	simm.s32 $0x7900  }
0x56: {  	[tilespmem:s25], [sflag:$0x1] =	stream.indirect_vreg.gather [hbm4b:s1+s3], $0x80, v4, vm0, $0xb8;
	[tilespmem:$0x1E100] =	vst v63  }
0x57: {  	s25 =	simm.s32 $0x8100  }
0x58: {  	[tilespmem:s25], [sflag:$0x1] =	stream.indirect_vreg.gather [hbm4b:s6+s3], $0x80, v4, vm0, $0xb8;
	[tilespmem:$0x1E100] =	vst v63  }
0x59: {  	s25 =	simm.s32 $0x8900  }
0x5a: {  	[tilespmem:s25], [sflag:$0x1] =	stream.indirect_vreg.gather [hbm4b:s7+s3], $0x80, v4, vm0, $0xb8;
	[tilespmem:$0x1E100] =	vst v63  }
0x5b: {  	v4 =	vld [tilespmem:$0x30];
	_ =	sdelay $0x4  }
0x5c: {  	v5 =	vshrl.u32 v4, $0x3  }
0x5d: {  	v5 =	vmul.u32 $0x30, v5  }
0x5e: {  	v4 =	vand.u32 $0x7, v4  }
0x5f: {  	v4 =	vor.u32 v4, v5  }
0x60: {  	v5 =	vperm.xlane v4, v1;
	_ =	sdelay $0x1  }
0x61: {  	v5 =	vadd.s32 v2, v5;
	_ =	sdelay $0x3  }
0x62: {  	s25 =	simm.s32 $0x9100;
	v4 =	vperm.xlane v4, v3  }
0x63: {  	[tilespmem:s25], [sflag:$0x1] =	stream.indirect_vreg.gather [hbm4b:s1+s3], $0x80, v5, vm0, $0xb8;
	[tilespmem:$0x1E100] =	vst v63  }
0x64: {  	v4 =	vadd.s32 v2, v4;
	s25 =	simm.s32 $0x9900  }
0x65: {  	[tilespmem:s25], [sflag:$0x1] =	stream.indirect_vreg.gather [hbm4b:s6+s3], $0x80, v5, vm0, $0xb8;
	[tilespmem:$0x1E100] =	vst v63  }
0x66: {  	s25 =	simm.s32 $0xA100  }
0x67: {  	[tilespmem:s25], [sflag:$0x1] =	stream.indirect_vreg.gather [hbm4b:s7+s3], $0x80, v5, vm0, $0xb8;
	[tilespmem:$0x1E100] =	vst v63  }
0x68: {  	s25 =	simm.s32 $0xA900  }
0x69: {  	[tilespmem:s25], [sflag:$0x1] =	stream.indirect_vreg.gather [hbm4b:s1+s3], $0x80, v4, vm0, $0xb8;
	[tilespmem:$0x1E100] =	vst v63  }
0x6a: {  	s25 =	simm.s32 $0xB100  }
0x6b: {  	[tilespmem:s25], [sflag:$0x1] =	stream.indirect_vreg.gather [hbm4b:s6+s3], $0x80, v4, vm0, $0xb8;
	[tilespmem:$0x1E100] =	vst v63  }
0x6c: {  	s25 =	simm.s32 $0xB900  }
0x6d: {  	[tilespmem:s25], [sflag:$0x1] =	stream.indirect_vreg.gather [hbm4b:s7+s3], $0x80, v4, vm0, $0xb8;
	[tilespmem:$0x1E100] =	vst v63  }
0x6e: {  	v4 =	vld [tilespmem:$0x40];
	_ =	sdelay $0x4  }
0x6f: {  	v5 =	vshrl.u32 v4, $0x3  }
0x70: {  	v5 =	vmul.u32 $0x30, v5  }
0x71: {  	v4 =	vand.u32 $0x7, v4  }
0x72: {  	v4 =	vor.u32 v4, v5  }
0x73: {  	v5 =	vperm.xlane v4, v1;
	_ =	sdelay $0x1  }
0x74: {  	v5 =	vadd.s32 v2, v5;
	_ =	sdelay $0x3  }
0x75: {  	s25 =	simm.s32 $0xC100;
	v4 =	vperm.xlane v4, v3  }
0x76: {  	[tilespmem:s25], [sflag:$0x1] =	stream.indirect_vreg.gather [hbm4b:s1+s3], $0x80, v5, vm0, $0xb8;
	[tilespmem:$0x1E100] =	vst v63  }
0x77: {  	v4 =	vadd.s32 v2, v4;
	s25 =	simm.s32 $0xC900  }
0x78: {  	[tilespmem:s25], [sflag:$0x1] =	stream.indirect_vreg.gather [hbm4b:s6+s3], $0x80, v5, vm0, $0xb8;
	[tilespmem:$0x1E100] =	vst v63  }
0x79: {  	s25 =	simm.s32 $0xD100  }
0x7a: {  	[tilespmem:s25], [sflag:$0x1] =	stream.indirect_vreg.gather [hbm4b:s7+s3], $0x80, v5, vm0, $0xb8;
	[tilespmem:$0x1E100] =	vst v63  }
0x7b: {  	s25 =	simm.s32 $0xD900  }
0x7c: {  	[tilespmem:s25], [sflag:$0x1] =	stream.indirect_vreg.gather [hbm4b:s1+s3], $0x80, v4, vm0, $0xb8;
	[tilespmem:$0x1E100] =	vst v63  }
0x7d: {  	s25 =	simm.s32 $0xE100  }
0x7e: {  	[tilespmem:s25], [sflag:$0x1] =	stream.indirect_vreg.gather [hbm4b:s6+s3], $0x80, v4, vm0, $0xb8;
	[tilespmem:$0x1E100] =	vst v63  }
0x7f: {  	s25 =	simm.s32 $0xE900  }
0x80: {  	[tilespmem:s25], [sflag:$0x1] =	stream.indirect_vreg.gather [hbm4b:s7+s3], $0x80, v4, vm0, $0xb8;
	[tilespmem:$0x1E100] =	vst v63  }
0x81: {  	_ =	swait.ge [sflag:s4], $0xF000  }
0x82: {  	[sflag:s4] =	ssyncset.done $0x0  }
0x83: {  	[sflag:s4] =	ssyncadd.s32 $0xFFFF1000  }
0x84: {  	v4 =	vld [tilespmem:$0x50];
	_ =	sdelay $0x4  }
0x85: {  	v5 =	vshrl.u32 v4, $0x3  }
0x86: {  	v5 =	vmul.u32 $0x30, v5  }
0x87: {  	v4 =	vand.u32 $0x7, v4  }
0x88: {  	v4 =	vor.u32 v4, v5  }
0x89: {  	v5 =	vperm.xlane v4, v1;
	_ =	sdelay $0x1  }
0x8a: {  	v5 =	vadd.s32 v2, v5;
	_ =	sdelay $0x3  }
0x8b: {  	s25 =	simm.s32 $0xF100;
	v4 =	vperm.xlane v4, v3  }
0x8c: {  	[tilespmem:s25], [sflag:$0x1] =	stream.indirect_vreg.gather [hbm4b:s1+s3], $0x80, v5, vm0, $0xb8;
	[tilespmem:$0x1E100] =	vst v63  }
0x8d: {  	v4 =	vadd.s32 v2, v4;
	s25 =	simm.s32 $0xF900  }
0x8e: {  	[tilespmem:s25], [sflag:$0x1] =	stream.indirect_vreg.gather [hbm4b:s6+s3], $0x80, v5, vm0, $0xb8;
	[tilespmem:$0x1E100] =	vst v63  }
0x8f: {  	s25 =	simm.s32 $0x10100  }
0x90: {  	[tilespmem:s25], [sflag:$0x1] =	stream.indirect_vreg.gather [hbm4b:s7+s3], $0x80, v5, vm0, $0xb8;
	[tilespmem:$0x1E100] =	vst v63  }
0x91: {  	s25 =	simm.s32 $0x10900  }
0x92: {  	[tilespmem:s25], [sflag:$0x1] =	stream.indirect_vreg.gather [hbm4b:s1+s3], $0x80, v4, vm0, $0xb8;
	[tilespmem:$0x1E100] =	vst v63  }
0x93: {  	_ = 	snop  }
0x94: {  	[tilespmem:s26], [sflag:$0x1] =	stream.indirect_vreg.gather [hbm4b:s6+s3], $0x80, v4, vm0, $0xb8;
	[tilespmem:$0x1E100] =	vst v63  }
0x95: {  	_ = 	snop  }
0x96: {  	[tilespmem:s28], [sflag:$0x1] =	stream.indirect_vreg.gather [hbm4b:s7+s3], $0x80, v4, vm0, $0xb8;
	[tilespmem:$0x1E100] =	vst v63  }
0x97: {  	v4 =	vld [tilespmem:$0x60];
	_ =	sdelay $0x4  }
0x98: {  	v5 =	vshrl.u32 v4, $0x3  }
0x99: {  	v5 =	vmul.u32 $0x30, v5  }
0x9a: {  	v4 =	vand.u32 $0x7, v4  }
0x9b: {  	v4 =	vor.u32 v4, v5  }
0x9c: {  	v5 =	vperm.xlane v4, v1;
	_ =	sdelay $0x1  }
0x9d: {  	v5 =	vadd.s32 v2, v5;
	_ =	sdelay $0x3  }
0x9e: {  	v4 =	vperm.xlane v4, v3  }
0x9f: {  	[tilespmem:s29], [sflag:$0x1] =	stream.indirect_vreg.gather [hbm4b:s1+s3], $0x80, v5, vm0, $0xb8;
	[tilespmem:$0x1E100] =	vst v63  }
0xa0: {  	v4 =	vadd.s32 v2, v4  }
0xa1: {  	[tilespmem:s30], [sflag:$0x1] =	stream.indirect_vreg.gather [hbm4b:s6+s3], $0x80, v5, vm0, $0xb8;
	[tilespmem:$0x1E100] =	vst v63  }
0xa2: {  	_ = 	snop  }
0xa3: {  	[tilespmem:s31], [sflag:$0x1] =	stream.indirect_vreg.gather [hbm4b:s7+s3], $0x80, v5, vm0, $0xb8;
	[tilespmem:$0x1E100] =	vst v63  }
0xa4: {  	_ = 	snop  }
0xa5: {  	[tilespmem:s2], [sflag:$0x1] =	stream.indirect_vreg.gather [hbm4b:s1+s3], $0x80, v4, vm0, $0xb8;
	[tilespmem:$0x1E100] =	vst v63  }
0xa6: {  	_ = 	snop  }
0xa7: {  	[tilespmem:s0], [sflag:$0x1] =	stream.indirect_vreg.gather [hbm4b:s6+s3], $0x80, v4, vm0, $0xb8;
	[tilespmem:$0x1E100] =	vst v63  }
0xa8: {  	_ = 	snop  }
0xa9: {  	[tilespmem:s5], [sflag:$0x1] =	stream.indirect_vreg.gather [hbm4b:s7+s3], $0x80, v4, vm0, $0xb8;
	[tilespmem:$0x1E100] =	vst v63  }
0xaa: {  	v4 =	vld [tilespmem:$0x70];
	_ =	sdelay $0x4  }
0xab: {  	v5 =	vshrl.u32 v4, $0x3  }
0xac: {  	v5 =	vmul.u32 $0x30, v5  }
0xad: {  	v4 =	vand.u32 $0x7, v4  }
0xae: {  	v4 =	vor.u32 v4, v5  }
0xaf: {  	v5 =	vperm.xlane v4, v1;
	_ =	sdelay $0x1  }
0xb0: {  	v5 =	vadd.s32 v2, v5;
	_ =	sdelay $0x3  }
0xb1: {  	v4 =	vperm.xlane v4, v3  }
0xb2: {  	[tilespmem:s8], [sflag:$0x1] =	stream.indirect_vreg.gather [hbm4b:s1+s3], $0x80, v5, vm0, $0xb8;
	[tilespmem:$0x1E100] =	vst v63  }
0xb3: {  	v4 =	vadd.s32 v2, v4  }
0xb4: {  	[tilespmem:s14], [sflag:$0x1] =	stream.indirect_vreg.gather [hbm4b:s6+s3], $0x80, v5, vm0, $0xb8;
	[tilespmem:$0x1E100] =	vst v63  }
0xb5: {  	_ = 	snop  }
0xb6: {  	[tilespmem:s15], [sflag:$0x1] =	stream.indirect_vreg.gather [hbm4b:s7+s3], $0x80, v5, vm0, $0xb8;
	[tilespmem:$0x1E100] =	vst v63  }
0xb7: {  	_ = 	snop  }
0xb8: {  	[tilespmem:s16], [sflag:$0x1] =	stream.indirect_vreg.gather [hbm4b:s1+s3], $0x80, v4, vm0, $0xb8;
	[tilespmem:$0x1E100] =	vst v63  }
0xb9: {  	_ = 	snop  }
0xba: {  	[tilespmem:s17], [sflag:$0x1] =	stream.indirect_vreg.gather [hbm4b:s6+s3], $0x80, v4, vm0, $0xb8;
	[tilespmem:$0x1E100] =	vst v63  }
0xbb: {  	_ = 	snop  }
0xbc: {  	[tilespmem:s18], [sflag:$0x1] =	stream.indirect_vreg.gather [hbm4b:s7+s3], $0x80, v4, vm0, $0xb8;
	[tilespmem:$0x1E100] =	vst v63  }
0xbd: {  	v4 =	vld [tilespmem:$0x80];
	_ =	sdelay $0x4  }
0xbe: {  	v5 =	vshrl.u32 v4, $0x3  }
0xbf: {  	v5 =	vmul.u32 $0x30, v5  }
0xc0: {  	v4 =	vand.u32 $0x7, v4  }
0xc1: {  	v4 =	vor.u32 v4, v5  }
0xc2: {  	v5 =	vperm.xlane v4, v1;
	_ =	sdelay $0x1  }
0xc3: {  	v5 =	vadd.s32 v2, v5;
	_ =	sdelay $0x3  }
0xc4: {  	v4 =	vperm.xlane v4, v3  }
0xc5: {  	[tilespmem:s19], [sflag:$0x1] =	stream.indirect_vreg.gather [hbm4b:s1+s3], $0x80, v5, vm0, $0xb8;
	[tilespmem:$0x1E100] =	vst v63  }
0xc6: {  	v4 =	vadd.s32 v2, v4  }
0xc7: {  	[tilespmem:s20], [sflag:$0x1] =	stream.indirect_vreg.gather [hbm4b:s6+s3], $0x80, v5, vm0, $0xb8;
	[tilespmem:$0x1E100] =	vst v63  }
0xc8: {  	_ = 	snop  }
0xc9: {  	[tilespmem:s21], [sflag:$0x1] =	stream.indirect_vreg.gather [hbm4b:s7+s3], $0x80, v5, vm0, $0xb8;
	[tilespmem:$0x1E100] =	vst v63  }
0xca: {  	_ = 	snop  }
0xcb: {  	[tilespmem:s22], [sflag:$0x1] =	stream.indirect_vreg.gather [hbm4b:s1+s3], $0x80, v4, vm0, $0xb8;
	[tilespmem:$0x1E100] =	vst v63  }
0xcc: {  	_ = 	snop  }
0xcd: {  	[tilespmem:s23], [sflag:$0x1] =	stream.indirect_vreg.gather [hbm4b:s6+s3], $0x80, v4, vm0, $0xb8;
	[tilespmem:$0x1E100] =	vst v63  }
0xce: {  	_ = 	snop  }
0xcf: {  	[tilespmem:s24], [sflag:$0x1] =	stream.indirect_vreg.gather [hbm4b:s7+s3], $0x80, v4, vm0, $0xb8;
	[tilespmem:$0x1E100] =	vst v63  }
0xd0: {  	_ =	swait.ge [sflag:s4], $0xC000  }
0xd1: {  	[sflag:s4] =	ssyncset.done $0x0  }
0xd2: {  	[sflag:s4] =	ssyncadd.s32 $0xFFFF4000  }
0xd3: {  	[hbm4b:s10+s3] =	stream.linear.scatter [tilespmem:s13], [sflag:$0x2], $0x19800, $0x38;
	[tilespmem:$0x1E100] =	vst v63  }
0xd4: {  	_ =	swait.ge [sflag:s12], $0x19800  }
0xd5: {  	[sflag:s12] =	ssyncset.done $0x0  }
0xd6: {  	[sflag:s12] =	ssyncadd.s32 $0xFFFE6800  }
.LBB2_4:
0xd7: {  	s11 =	sadd.s32 $0xFFFFFFFF, s11  }
0xd8: {  	p2 =	sne.s32 s11, $0x0  }
.Ltmp1:
0xd9: {  	_ = 	snop;
	(pc) =	sbr.rel @!p2 .LBB2_5-.Ltmp1, $1  }
0xda: {  	_ =	sdelay $0x3  }
.LBB2_1:
.Ltmp2:
0xdb: {  	(pc) =	sbr.rel @p0 .LBB2_3-.Ltmp2, $1  }
0xdc: {  	_ =	sdelay $0x3  }
0xdd: {  	s25 =	rddreg [dreg:$0x4]  }
0xde: {  	[tilespmem:s3], [sflag:$0x2] =	stream.linear.gather [hbm4b:s25+s3], $0xA0, $0x38;
	[tilespmem:$0x1E100] =	vst v63  }
0xdf: {  	_ =	swait.ge [sflag:s12], $0xA0  }
0xe0: {  	[sflag:s12] =	ssyncset.done $0x0  }
0xe1: {  	[sflag:s12] =	ssyncadd.s32 $0xFFFFFF60  }
0xe2: {  	v4 =	vld [tilespmem:$0x0];
	_ =	sdelay $0x1  }
0xe3: {  	v5 =	vld [tilespmem:$0x10]  }
0xe4: {  	v6 =	vld [tilespmem:$0x20]  }
0xe5: {  	v7 =	vld [tilespmem:$0x30]  }
0xe6: {  	v9 =	vld [tilespmem:$0x40];
	v8 =	vadd.s32 v0, v4  }
0xe7: {  	v10 =	vld [tilespmem:$0x50];
	v11 =	vshrl.u32 v8, $0x3  }
0xe8: {  	v59 =	vld [tilespmem:$0x60];
	v5 =	vadd.s32 v0, v5;
	[tilespmem:$0x0] =	vst v8;
	v11 =	vmul.u32 $0x30, v11  }
0xe9: {  	v60 =	vld [tilespmem:$0x70];
	v4 =	vand.u32 $0x7, v4;
	[tilespmem:$0x10] =	vst v5;
	v5 =	vadd.s32 v0, v6  }
0xea: {  	v61 =	vld [tilespmem:$0x80];
	[tilespmem:$0x20] =	vst v5;
	v5 =	vadd.s32 v0, v7;
	v4 =	vor.u32 v4, v11  }
0xeb: {  	v62 =	vld [tilespmem:$0x90];
	[tilespmem:$0x30] =	vst v5;
	v5 =	vadd.s32 v0, v9;
	v11 =	vperm.xlane v4, v1  }
0xec: {  	[tilespmem:$0x40] =	vst v5;
	v5 =	vadd.s32 v0, v10  }
0xed: {  	[tilespmem:$0x50] =	vst v5;
	v5 =	vadd.s32 v0, v59;
	v63 =	vadd.s32 v2, v11  }
0xee: {  	[tilespmem:$0x60] =	vst v5;
	v5 =	vadd.s32 v0, v60  }
0xef: {  	[tilespmem:$0x70] =	vst v5;
	v5 =	vadd.s32 v0, v61  }
0xf0: {  	[tilespmem:$0x80] =	vst v5;
	v5 =	vadd.s32 v0, v62  }
0xf1: {  	v4 =	vperm.xlane v4, v3;
	[tilespmem:$0x90] =	vst v5  }
0xf2: {  	[tilespmem:s13], [sflag:$0x1] =	stream.indirect_vreg.gather [hbm4b:s1+s3], $0x80, v63, vm0, $0xb8;
	[tilespmem:$0x1E100] =	vst v63  }
0xf3: {  	s25 =	simm.s32 $0x900;
	v4 =	vadd.s32 v2, v4  }
0xf4: {  	[tilespmem:s25], [sflag:$0x1] =	stream.indirect_vreg.gather [hbm4b:s6+s3], $0x80, v63, vm0, $0xb8;
	[tilespmem:$0x1E100] =	vst v63  }
0xf5: {  	s25 =	simm.s32 $0x1100  }
0xf6: {  	[tilespmem:s25], [sflag:$0x1] =	stream.indirect_vreg.gather [hbm4b:s7+s3], $0x80, v63, vm0, $0xb8;
	[tilespmem:$0x1E100] =	vst v63  }
0xf7: {  	s25 =	simm.s32 $0x1900  }
0xf8: {  	[tilespmem:s25], [sflag:$0x1] =	stream.indirect_vreg.gather [hbm4b:s1+s3], $0x80, v4, vm0, $0xb8;
	[tilespmem:$0x1E100] =	vst v63  }
0xf9: {  	s25 =	simm.s32 $0x2100  }
0xfa: {  	[tilespmem:s25], [sflag:$0x1] =	stream.indirect_vreg.gather [hbm4b:s6+s3], $0x80, v4, vm0, $0xb8;
	[tilespmem:$0x1E100] =	vst v63  }
0xfb: {  	s25 =	simm.s32 $0x2900  }
0xfc: {  	[tilespmem:s25], [sflag:$0x1] =	stream.indirect_vreg.gather [hbm4b:s7+s3], $0x80, v4, vm0, $0xb8;
	[tilespmem:$0x1E100] =	vst v63  }
0xfd: {  	v4 =	vld [tilespmem:$0x10];
	_ =	sdelay $0x4  }
0xfe: {  	v5 =	vshrl.u32 v4, $0x3  }
0xff: {  	v5 =	vmul.u32 $0x30, v5  }
0x100: {  	v4 =	vand.u32 $0x7, v4  }
0x101: {  	v4 =	vor.u32 v4, v5  }
0x102: {  	v5 =	vperm.xlane v4, v1;
	_ =	sdelay $0x1  }
0x103: {  	v5 =	vadd.s32 v2, v5;
	_ =	sdelay $0x3  }
0x104: {  	s25 =	simm.s32 $0x3100;
	v4 =	vperm.xlane v4, v3  }
0x105: {  	[tilespmem:s25], [sflag:$0x1] =	stream.indirect_vreg.gather [hbm4b:s1+s3], $0x80, v5, vm0, $0xb8;
	[tilespmem:$0x1E100] =	vst v63  }
0x106: {  	v4 =	vadd.s32 v2, v4;
	s25 =	simm.s32 $0x3900  }
0x107: {  	[tilespmem:s25], [sflag:$0x1] =	stream.indirect_vreg.gather [hbm4b:s6+s3], $0x80, v5, vm0, $0xb8;
	[tilespmem:$0x1E100] =	vst v63  }
0x108: {  	s25 =	simm.s32 $0x4100  }
0x109: {  	[tilespmem:s25], [sflag:$0x1] =	stream.indirect_vreg.gather [hbm4b:s7+s3], $0x80, v5, vm0, $0xb8;
	[tilespmem:$0x1E100] =	vst v63  }
0x10a: {  	s25 =	simm.s32 $0x4900  }
0x10b: {  	[tilespmem:s25], [sflag:$0x1] =	stream.indirect_vreg.gather [hbm4b:s1+s3], $0x80, v4, vm0, $0xb8;
	[tilespmem:$0x1E100] =	vst v63  }
0x10c: {  	s25 =	simm.s32 $0x5100  }
0x10d: {  	[tilespmem:s25], [sflag:$0x1] =	stream.indirect_vreg.gather [hbm4b:s6+s3], $0x80, v4, vm0, $0xb8;
	[tilespmem:$0x1E100] =	vst v63  }
0x10e: {  	s25 =	simm.s32 $0x5900  }
0x10f: {  	[tilespmem:s25], [sflag:$0x1] =	stream.indirect_vreg.gather [hbm4b:s7+s3], $0x80, v4, vm0, $0xb8;
	[tilespmem:$0x1E100] =	vst v63  }
0x110: {  	v4 =	vld [tilespmem:$0x20];
	_ =	sdelay $0x4  }
0x111: {  	v5 =	vshrl.u32 v4, $0x3  }
0x112: {  	v5 =	vmul.u32 $0x30, v5  }
0x113: {  	v4 =	vand.u32 $0x7, v4  }
0x114: {  	v4 =	vor.u32 v4, v5  }
0x115: {  	v5 =	vperm.xlane v4, v1;
	_ =	sdelay $0x1  }
0x116: {  	v5 =	vadd.s32 v2, v5;
	_ =	sdelay $0x3  }
0x117: {  	s25 =	simm.s32 $0x6100;
	v4 =	vperm.xlane v4, v3  }
0x118: {  	[tilespmem:s25], [sflag:$0x1] =	stream.indirect_vreg.gather [hbm4b:s1+s3], $0x80, v5, vm0, $0xb8;
	[tilespmem:$0x1E100] =	vst v63  }
0x119: {  	v4 =	vadd.s32 v2, v4;
	s25 =	simm.s32 $0x6900  }
0x11a: {  	[tilespmem:s25], [sflag:$0x1] =	stream.indirect_vreg.gather [hbm4b:s6+s3], $0x80, v5, vm0, $0xb8;
	[tilespmem:$0x1E100] =	vst v63  }
0x11b: {  	s25 =	simm.s32 $0x7100  }
0x11c: {  	[tilespmem:s25], [sflag:$0x1] =	stream.indirect_vreg.gather [hbm4b:s7+s3], $0x80, v5, vm0, $0xb8;
	[tilespmem:$0x1E100] =	vst v63  }
0x11d: {  	s25 =	simm.s32 $0x7900  }
0x11e: {  	[tilespmem:s25], [sflag:$0x1] =	stream.indirect_vreg.gather [hbm4b:s1+s3], $0x80, v4, vm0, $0xb8;
	[tilespmem:$0x1E100] =	vst v63  }
0x11f: {  	s25 =	simm.s32 $0x8100  }
0x120: {  	[tilespmem:s25], [sflag:$0x1] =	stream.indirect_vreg.gather [hbm4b:s6+s3], $0x80, v4, vm0, $0xb8;
	[tilespmem:$0x1E100] =	vst v63  }
0x121: {  	s25 =	simm.s32 $0x8900  }
0x122: {  	[tilespmem:s25], [sflag:$0x1] =	stream.indirect_vreg.gather [hbm4b:s7+s3], $0x80, v4, vm0, $0xb8;
	[tilespmem:$0x1E100] =	vst v63  }
0x123: {  	v4 =	vld [tilespmem:$0x30];
	_ =	sdelay $0x4  }
0x124: {  	v5 =	vshrl.u32 v4, $0x3  }
0x125: {  	v5 =	vmul.u32 $0x30, v5  }
0x126: {  	v4 =	vand.u32 $0x7, v4  }
0x127: {  	v4 =	vor.u32 v4, v5  }
0x128: {  	v5 =	vperm.xlane v4, v1;
	_ =	sdelay $0x1  }
0x129: {  	v5 =	vadd.s32 v2, v5;
	_ =	sdelay $0x3  }
0x12a: {  	s25 =	simm.s32 $0x9100;
	v4 =	vperm.xlane v4, v3  }
0x12b: {  	[tilespmem:s25], [sflag:$0x1] =	stream.indirect_vreg.gather [hbm4b:s1+s3], $0x80, v5, vm0, $0xb8;
	[tilespmem:$0x1E100] =	vst v63  }
0x12c: {  	v4 =	vadd.s32 v2, v4;
	s25 =	simm.s32 $0x9900  }
0x12d: {  	[tilespmem:s25], [sflag:$0x1] =	stream.indirect_vreg.gather [hbm4b:s6+s3], $0x80, v5, vm0, $0xb8;
	[tilespmem:$0x1E100] =	vst v63  }
0x12e: {  	s25 =	simm.s32 $0xA100  }
0x12f: {  	[tilespmem:s25], [sflag:$0x1] =	stream.indirect_vreg.gather [hbm4b:s7+s3], $0x80, v5, vm0, $0xb8;
	[tilespmem:$0x1E100] =	vst v63  }
0x130: {  	s25 =	simm.s32 $0xA900  }
0x131: {  	[tilespmem:s25], [sflag:$0x1] =	stream.indirect_vreg.gather [hbm4b:s1+s3], $0x80, v4, vm0, $0xb8;
	[tilespmem:$0x1E100] =	vst v63  }
0x132: {  	s25 =	simm.s32 $0xB100  }
0x133: {  	[tilespmem:s25], [sflag:$0x1] =	stream.indirect_vreg.gather [hbm4b:s6+s3], $0x80, v4, vm0, $0xb8;
	[tilespmem:$0x1E100] =	vst v63  }
0x134: {  	s25 =	simm.s32 $0xB900  }
0x135: {  	[tilespmem:s25], [sflag:$0x1] =	stream.indirect_vreg.gather [hbm4b:s7+s3], $0x80, v4, vm0, $0xb8;
	[tilespmem:$0x1E100] =	vst v63  }
0x136: {  	v4 =	vld [tilespmem:$0x40];
	_ =	sdelay $0x4  }
0x137: {  	v5 =	vshrl.u32 v4, $0x3  }
0x138: {  	v5 =	vmul.u32 $0x30, v5  }
0x139: {  	v4 =	vand.u32 $0x7, v4  }
0x13a: {  	v4 =	vor.u32 v4, v5  }
0x13b: {  	v5 =	vperm.xlane v4, v1;
	_ =	sdelay $0x1  }
0x13c: {  	v5 =	vadd.s32 v2, v5;
	_ =	sdelay $0x3  }
0x13d: {  	s25 =	simm.s32 $0xC100;
	v4 =	vperm.xlane v4, v3  }
0x13e: {  	[tilespmem:s25], [sflag:$0x1] =	stream.indirect_vreg.gather [hbm4b:s1+s3], $0x80, v5, vm0, $0xb8;
	[tilespmem:$0x1E100] =	vst v63  }
0x13f: {  	v4 =	vadd.s32 v2, v4;
	s25 =	simm.s32 $0xC900  }
0x140: {  	[tilespmem:s25], [sflag:$0x1] =	stream.indirect_vreg.gather [hbm4b:s6+s3], $0x80, v5, vm0, $0xb8;
	[tilespmem:$0x1E100] =	vst v63  }
0x141: {  	s25 =	simm.s32 $0xD100  }
0x142: {  	[tilespmem:s25], [sflag:$0x1] =	stream.indirect_vreg.gather [hbm4b:s7+s3], $0x80, v5, vm0, $0xb8;
	[tilespmem:$0x1E100] =	vst v63  }
0x143: {  	s25 =	simm.s32 $0xD900  }
0x144: {  	[tilespmem:s25], [sflag:$0x1] =	stream.indirect_vreg.gather [hbm4b:s1+s3], $0x80, v4, vm0, $0xb8;
	[tilespmem:$0x1E100] =	vst v63  }
0x145: {  	s25 =	simm.s32 $0xE100  }
0x146: {  	[tilespmem:s25], [sflag:$0x1] =	stream.indirect_vreg.gather [hbm4b:s6+s3], $0x80, v4, vm0, $0xb8;
	[tilespmem:$0x1E100] =	vst v63  }
0x147: {  	s25 =	simm.s32 $0xE900  }
0x148: {  	[tilespmem:s25], [sflag:$0x1] =	stream.indirect_vreg.gather [hbm4b:s7+s3], $0x80, v4, vm0, $0xb8;
	[tilespmem:$0x1E100] =	vst v63  }
0x149: {  	_ =	swait.ge [sflag:s4], $0xF000  }
0x14a: {  	[sflag:s4] =	ssyncset.done $0x0  }
0x14b: {  	[sflag:s4] =	ssyncadd.s32 $0xFFFF1000  }
0x14c: {  	v4 =	vld [tilespmem:$0x50];
	_ =	sdelay $0x4  }
0x14d: {  	v5 =	vshrl.u32 v4, $0x3  }
0x14e: {  	v5 =	vmul.u32 $0x30, v5  }
0x14f: {  	v4 =	vand.u32 $0x7, v4  }
0x150: {  	v4 =	vor.u32 v4, v5  }
0x151: {  	v5 =	vperm.xlane v4, v1;
	_ =	sdelay $0x1  }
0x152: {  	v5 =	vadd.s32 v2, v5;
	_ =	sdelay $0x3  }
0x153: {  	s25 =	simm.s32 $0xF100;
	v4 =	vperm.xlane v4, v3  }
0x154: {  	[tilespmem:s25], [sflag:$0x1] =	stream.indirect_vreg.gather [hbm4b:s1+s3], $0x80, v5, vm0, $0xb8;
	[tilespmem:$0x1E100] =	vst v63  }
0x155: {  	v4 =	vadd.s32 v2, v4;
	s25 =	simm.s32 $0xF900  }
0x156: {  	[tilespmem:s25], [sflag:$0x1] =	stream.indirect_vreg.gather [hbm4b:s6+s3], $0x80, v5, vm0, $0xb8;
	[tilespmem:$0x1E100] =	vst v63  }
0x157: {  	s25 =	simm.s32 $0x10100  }
0x158: {  	[tilespmem:s25], [sflag:$0x1] =	stream.indirect_vreg.gather [hbm4b:s7+s3], $0x80, v5, vm0, $0xb8;
	[tilespmem:$0x1E100] =	vst v63  }
0x159: {  	s25 =	simm.s32 $0x10900  }
0x15a: {  	[tilespmem:s25], [sflag:$0x1] =	stream.indirect_vreg.gather [hbm4b:s1+s3], $0x80, v4, vm0, $0xb8;
	[tilespmem:$0x1E100] =	vst v63  }
0x15b: {  	_ = 	snop  }
0x15c: {  	[tilespmem:s26], [sflag:$0x1] =	stream.indirect_vreg.gather [hbm4b:s6+s3], $0x80, v4, vm0, $0xb8;
	[tilespmem:$0x1E100] =	vst v63  }
0x15d: {  	_ = 	snop  }
0x15e: {  	[tilespmem:s28], [sflag:$0x1] =	stream.indirect_vreg.gather [hbm4b:s7+s3], $0x80, v4, vm0, $0xb8;
	[tilespmem:$0x1E100] =	vst v63  }
0x15f: {  	v4 =	vld [tilespmem:$0x60];
	_ =	sdelay $0x4  }
0x160: {  	v5 =	vshrl.u32 v4, $0x3  }
0x161: {  	v5 =	vmul.u32 $0x30, v5  }
0x162: {  	v4 =	vand.u32 $0x7, v4  }
0x163: {  	v4 =	vor.u32 v4, v5  }
0x164: {  	v5 =	vperm.xlane v4, v1;
	_ =	sdelay $0x1  }
0x165: {  	v5 =	vadd.s32 v2, v5;
	_ =	sdelay $0x3  }
0x166: {  	v4 =	vperm.xlane v4, v3  }
0x167: {  	[tilespmem:s29], [sflag:$0x1] =	stream.indirect_vreg.gather [hbm4b:s1+s3], $0x80, v5, vm0, $0xb8;
	[tilespmem:$0x1E100] =	vst v63  }
0x168: {  	v4 =	vadd.s32 v2, v4  }
0x169: {  	[tilespmem:s30], [sflag:$0x1] =	stream.indirect_vreg.gather [hbm4b:s6+s3], $0x80, v5, vm0, $0xb8;
	[tilespmem:$0x1E100] =	vst v63  }
0x16a: {  	_ = 	snop  }
0x16b: {  	[tilespmem:s31], [sflag:$0x1] =	stream.indirect_vreg.gather [hbm4b:s7+s3], $0x80, v5, vm0, $0xb8;
	[tilespmem:$0x1E100] =	vst v63  }
0x16c: {  	_ = 	snop  }
0x16d: {  	[tilespmem:s2], [sflag:$0x1] =	stream.indirect_vreg.gather [hbm4b:s1+s3], $0x80, v4, vm0, $0xb8;
	[tilespmem:$0x1E100] =	vst v63  }
0x16e: {  	_ = 	snop  }
0x16f: {  	[tilespmem:s0], [sflag:$0x1] =	stream.indirect_vreg.gather [hbm4b:s6+s3], $0x80, v4, vm0, $0xb8;
	[tilespmem:$0x1E100] =	vst v63  }
0x170: {  	_ = 	snop  }
0x171: {  	[tilespmem:s5], [sflag:$0x1] =	stream.indirect_vreg.gather [hbm4b:s7+s3], $0x80, v4, vm0, $0xb8;
	[tilespmem:$0x1E100] =	vst v63  }
0x172: {  	v4 =	vld [tilespmem:$0x70];
	_ =	sdelay $0x4  }
0x173: {  	v5 =	vshrl.u32 v4, $0x3  }
0x174: {  	v5 =	vmul.u32 $0x30, v5  }
0x175: {  	v4 =	vand.u32 $0x7, v4  }
0x176: {  	v4 =	vor.u32 v4, v5  }
0x177: {  	v5 =	vperm.xlane v4, v1;
	_ =	sdelay $0x1  }
0x178: {  	v5 =	vadd.s32 v2, v5;
	_ =	sdelay $0x3  }
0x179: {  	v4 =	vperm.xlane v4, v3  }
0x17a: {  	[tilespmem:s8], [sflag:$0x1] =	stream.indirect_vreg.gather [hbm4b:s1+s3], $0x80, v5, vm0, $0xb8;
	[tilespmem:$0x1E100] =	vst v63  }
0x17b: {  	v4 =	vadd.s32 v2, v4  }
0x17c: {  	[tilespmem:s14], [sflag:$0x1] =	stream.indirect_vreg.gather [hbm4b:s6+s3], $0x80, v5, vm0, $0xb8;
	[tilespmem:$0x1E100] =	vst v63  }
0x17d: {  	_ = 	snop  }
0x17e: {  	[tilespmem:s15], [sflag:$0x1] =	stream.indirect_vreg.gather [hbm4b:s7+s3], $0x80, v5, vm0, $0xb8;
	[tilespmem:$0x1E100] =	vst v63  }
0x17f: {  	_ = 	snop  }
0x180: {  	[tilespmem:s16], [sflag:$0x1] =	stream.indirect_vreg.gather [hbm4b:s1+s3], $0x80, v4, vm0, $0xb8;
	[tilespmem:$0x1E100] =	vst v63  }
0x181: {  	_ = 	snop  }
0x182: {  	[tilespmem:s17], [sflag:$0x1] =	stream.indirect_vreg.gather [hbm4b:s6+s3], $0x80, v4, vm0, $0xb8;
	[tilespmem:$0x1E100] =	vst v63  }
0x183: {  	_ = 	snop  }
0x184: {  	[tilespmem:s18], [sflag:$0x1] =	stream.indirect_vreg.gather [hbm4b:s7+s3], $0x80, v4, vm0, $0xb8;
	[tilespmem:$0x1E100] =	vst v63  }
0x185: {  	v4 =	vld [tilespmem:$0x80];
	_ =	sdelay $0x4  }
0x186: {  	v5 =	vshrl.u32 v4, $0x3  }
0x187: {  	v5 =	vmul.u32 $0x30, v5  }
0x188: {  	v4 =	vand.u32 $0x7, v4  }
0x189: {  	v4 =	vor.u32 v4, v5  }
0x18a: {  	v5 =	vperm.xlane v4, v1;
	_ =	sdelay $0x1  }
0x18b: {  	v5 =	vadd.s32 v2, v5;
	_ =	sdelay $0x3  }
0x18c: {  	v4 =	vperm.xlane v4, v3  }
0x18d: {  	[tilespmem:s19], [sflag:$0x1] =	stream.indirect_vreg.gather [hbm4b:s1+s3], $0x80, v5, vm0, $0xb8;
	[tilespmem:$0x1E100] =	vst v63  }
0x18e: {  	v4 =	vadd.s32 v2, v4  }
0x18f: {  	[tilespmem:s20], [sflag:$0x1] =	stream.indirect_vreg.gather [hbm4b:s6+s3], $0x80, v5, vm0, $0xb8;
	[tilespmem:$0x1E100] =	vst v63  }
0x190: {  	_ = 	snop  }
0x191: {  	[tilespmem:s21], [sflag:$0x1] =	stream.indirect_vreg.gather [hbm4b:s7+s3], $0x80, v5, vm0, $0xb8;
	[tilespmem:$0x1E100] =	vst v63  }
0x192: {  	_ = 	snop  }
0x193: {  	[tilespmem:s22], [sflag:$0x1] =	stream.indirect_vreg.gather [hbm4b:s1+s3], $0x80, v4, vm0, $0xb8;
	[tilespmem:$0x1E100] =	vst v63  }
0x194: {  	_ = 	snop  }
0x195: {  	[tilespmem:s23], [sflag:$0x1] =	stream.indirect_vreg.gather [hbm4b:s6+s3], $0x80, v4, vm0, $0xb8;
	[tilespmem:$0x1E100] =	vst v63  }
0x196: {  	_ = 	snop  }
0x197: {  	[tilespmem:s24], [sflag:$0x1] =	stream.indirect_vreg.gather [hbm4b:s7+s3], $0x80, v4, vm0, $0xb8;
	[tilespmem:$0x1E100] =	vst v63  }
0x198: {  	v4 =	vld [tilespmem:$0x90];
	_ =	sdelay $0x4  }
0x199: {  	v5 =	vshrl.u32 v4, $0x3  }
0x19a: {  	v5 =	vmul.u32 $0x30, v5  }
0x19b: {  	v4 =	vand.u32 $0x7, v4  }
0x19c: {  	v4 =	vor.u32 v4, v5  }
0x19d: {  	v5 =	vperm.xlane v4, v1;
	_ =	sdelay $0x1  }
0x19e: {  	v5 =	vadd.s32 v2, v5;
	_ =	sdelay $0x3  }
0x19f: {  	s25 =	simm.s32 $0x1B100;
	v4 =	vperm.xlane v4, v3  }
0x1a0: {  	[tilespmem:s25], [sflag:$0x1] =	stream.indirect_vreg.gather [hbm4b:s1+s3], $0x80, v5, vm0, $0xb8;
	[tilespmem:$0x1E100] =	vst v63  }
0x1a1: {  	v4 =	vadd.s32 v2, v4;
	s25 =	simm.s32 $0x1B900  }
0x1a2: {  	[tilespmem:s25], [sflag:$0x1] =	stream.indirect_vreg.gather [hbm4b:s6+s3], $0x80, v5, vm0, $0xb8;
	[tilespmem:$0x1E100] =	vst v63  }
0x1a3: {  	s25 =	simm.s32 $0x1C100  }
0x1a4: {  	[tilespmem:s25], [sflag:$0x1] =	stream.indirect_vreg.gather [hbm4b:s7+s3], $0x80, v5, vm0, $0xb8;
	[tilespmem:$0x1E100] =	vst v63  }
0x1a5: {  	s25 =	simm.s32 $0x1C900  }
0x1a6: {  	[tilespmem:s25], [sflag:$0x1] =	stream.indirect_vreg.gather [hbm4b:s1+s3], $0x80, v4, vm0, $0xb8;
	[tilespmem:$0x1E100] =	vst v63  }
0x1a7: {  	s25 =	simm.s32 $0x1D100  }
0x1a8: {  	[tilespmem:s25], [sflag:$0x1] =	stream.indirect_vreg.gather [hbm4b:s6+s3], $0x80, v4, vm0, $0xb8;
	[tilespmem:$0x1E100] =	vst v63  }
0x1a9: {  	s25 =	simm.s32 $0x1D900  }
0x1aa: {  	[tilespmem:s25], [sflag:$0x1] =	stream.indirect_vreg.gather [hbm4b:s7+s3], $0x80, v4, vm0, $0xb8;
	[tilespmem:$0x1E100] =	vst v63  }
0x1ab: {  	_ =	swait.ge [sflag:s4], $0xF000  }
0x1ac: {  	[sflag:s4] =	ssyncset.done $0x0  }
0x1ad: {  	s25 =	rddreg [dreg:$0x5];
	[sflag:s4] =	ssyncadd.s32 $0xFFFF1000  }
0x1ae: {  	[hbm4b:s25+s3] =	stream.linear.scatter [tilespmem:s13], [sflag:$0x2], $0x1E000, $0x38;
	[tilespmem:$0x1E100] =	vst v63  }
.Ltmp3:
0x1af: {  	_ = 	snop;
	(pc) =	sbr.rel @p1 .LBB2_4-.Ltmp3, $4  }
.Ltmp4:
0x1b0: {  	_ = 	snop;
	(pc) =	sbr.rel @!p1 .LBB2_3-.Ltmp4, $4  }
0x1b1: {  	_ =	swait.ge [sflag:s12], $0x1E000  }
0x1b2: {  	[sflag:s12] =	ssyncset.done $0x0  }
0x1b3: {  	[sflag:s12] =	ssyncadd.s32 $0xFFFE2000  }
0x1b4: {  	_ = 	snop  }
.LBB2_5:
0x1b5: {  	_ =	sfence.sel $0x180000  }
0x1b6: {  	[bflag:$0x0] =	sbarrier.arrive $0xFFFF  }
0x1b7: {  	_ =	strace $0x90000047  }
0x1b8: {  	s0 =	stileid.u32;
	[bflag:$0x2] =	sbarrier.arrive $0xFFFF  }
0x1b9: {  	p0 =	sne.s32 s0, $0x0;
	s0 =	rddreg [dreg:$0x3]  }
0x1ba: {  	s0 =	sadd.s32 @!p0 $0x100000, s0  }
0x1bb: {  	[sflag:s0] =	ssyncadd.tile.s32 @!p0 $0x1;
	_ =	shalt  }
.Lfunc_end2:
_tile_overlayer_lowered:
.L_overlay_start_2:
0x1bc: {  	(tag) =	ssettag $0x2  }
0x1bd: {  	s0 =	rddreg [dreg:$0x0];
	s2 =	stileid.u32  }
0x1be: {  	s1 =	rddreg [dreg:$0x1];
	p0 =	sne.s32 s2, $0x0  }
0x1bf: {  	s3 =	rddreg [dreg:$0x2];
	[bflag:$0x3] =	sbarrier.arrive $0xFFFF;
	s2 =	simm.s32 @!p0 $0x1C02  }
0x1c0: {  	[timem:s3], [sflag:s2] =	dma.local @!p0 [hbm:s0], s1  }
0x1c1: {  	s0 =	simm.s32 @!p0 $0x2  }
0x1c2: {  	_ =	swait.ge @!p0 [sflag:s0], s1  }
0x1c3: {  	s1 =	ssub.s32 @!p0 $0x0, s1;
	[sflag:s0] =	ssyncset.done @!p0 $0x0  }
0x1c4: {  	[sflag:s0] =	ssyncadd.s32 @!p0 s1  }
0x1c5: {  	[bflag:$0x3] =	sbarrier.arrive $0xFFFF  }
0x1c6: {  	_ =	shalt  }

</sc_bundles>
